<compile_context>
chip_gen: v7x
topology: tpu7x:2x2x1
jax: 0.10.2.dev20260603
libtpu: 0.0.44.dev20260713+nightly
codegen_flags: <defaults>
</compile_context>

<pallas_src>
import functools

import jax
import jax.numpy as jnp
from jax import lax
from jax.experimental import pallas as pl
from jax.experimental.pallas import tpu as pltpu
from jax.experimental.pallas import tpu_sc as plsc

BATCH = 4096
SEQ = 50
EMBED = 128
NUM_CORES = 2
NUM_SUBCORES = 16
NW = NUM_CORES * NUM_SUBCORES
BW = BATCH // NW
NBUF = 5

_mesh = plsc.VectorSubcoreMesh(core_axis_name="c", subcore_axis_name="s",
                               num_cores=2)


@functools.partial(
    pl.kernel,
    mesh=_mesh,
    out_type=jax.ShapeDtypeStruct((SEQ, BATCH, EMBED), jnp.float32),
    scratch_types=[
        pltpu.VMEM((SEQ, BW), jnp.int32),
        pltpu.VMEM((NBUF, BW, EMBED), jnp.float32),
    ] + [pltpu.SemaphoreType.DMA] * (2 * NBUF),
)
def _sc_gather(table_hbm, idx_hbm, out_hbm, idx_v, rows_v, *sems):
    wid = lax.axis_index("s") * NUM_CORES + lax.axis_index("c")
    base = wid * BW
    gsem = sems[:NBUF]
    ssem = sems[NBUF:]
    pltpu.sync_copy(idx_hbm.at[:, pl.ds(base, BW)], idx_v)

    def start_gather(s, b):
        pltpu.async_copy(table_hbm.at[idx_v.at[s]], rows_v.at[b], gsem[b])

    def wait_gather(s, b):
        pltpu.make_async_copy(table_hbm.at[idx_v.at[s]], rows_v.at[b],
                              gsem[b]).wait()

    def start_store(s, b):
        pltpu.async_copy(rows_v.at[b], out_hbm.at[s, pl.ds(base, BW)],
                         ssem[b])

    def wait_store(s, b):
        pltpu.make_async_copy(rows_v.at[b], out_hbm.at[s, pl.ds(base, BW)],
                              ssem[b]).wait()

    for s in range(NBUF - 1):
        start_gather(s, s)

    def body(i, carry):
        s0 = i * NBUF
        for k in range(NBUF):
            s = s0 + k
            ahead = (k + NBUF - 1) % NBUF

            @pl.when(s + NBUF - 1 < SEQ)
            def _():
                @pl.when(s >= 1)
                def _():
                    wait_store(s - 1, ahead)

                start_gather(s + NBUF - 1, ahead)

            wait_gather(s, k)
            start_store(s, k)
        return carry

    lax.fori_loop(0, SEQ // NBUF, body, 0)
    for s in range(SEQ - NBUF, SEQ):
        wait_store(s, s % NBUF)


def kernel(subword_sequences, token_embedding):
    idx_t = subword_sequences.astype(jnp.int32).T
    out = _sc_gather(token_embedding, idx_t)
    return out.transpose(1, 0, 2)

# --- scband reference (transcript-rebuilt; emitter-appended) ---
"""Pipeline reference for scband-embedding-layer-14516989460967 (READ-ONLY COPY).

The authoritative reference and input builder live on the scoring server;
editing this copy changes nothing except your own understanding.
"""

import jax, jax.numpy as jnp
import numpy as np

VOCAB = 100000
EMBED_DIM = 128
BATCH = 4096
SEQ = 50

def setup_inputs(seed: int = 0) -> dict:
    key = jax.random.key(seed)
    k_idx, k_tab = jax.random.split(key)
    subword_sequences = jax.random.randint(k_idx, (BATCH, SEQ), 0, VOCAB, dtype=jnp.int64 if jax.config.jax_enable_x64 else jnp.int32)
    token_embedding = jax.random.normal(k_tab, (VOCAB, EMBED_DIM), dtype=jnp.float32) * 0.02
    return {"subword_sequences": subword_sequences, "token_embedding": token_embedding}

def reference(subword_sequences, token_embedding):
    # EmbeddingLayer configured with learn_subword_embeddings=True,
    # include_pretrained_model=False, include_fasttext_model=False,
    # output_embedding_type=SubWord, dropout=0.0 (identity at eval).
    subword_embeddings = jnp.take(token_embedding, subword_sequences, axis=0)
    # dropout with p=0.0 is identity
    result = subword_embeddings
    return result

if __name__ == "__main__":
    import jax
    _d = setup_inputs()
    print(jax.jit(kernel)(*tuple(_d.values())))

</pallas_src>

<mosaic_0001>
#map = affine_map<(d0, d1) -> (0, 0)>
#map1 = affine_map<(d0, d1) -> (0, 0, 0)>
module attributes {stable_mosaic.version = 14 : i64} {
  func.func @_sc_gather(%arg0: i32, %arg1: i32, %arg2: memref<100000x128xf32, #tpu.memory_space<hbm>>, %arg3: memref<50x4096xi32, #tpu.memory_space<hbm>>, %arg4: memref<50x4096x128xf32, #tpu.memory_space<hbm>>, %arg5: memref<50x128xi32, #tpu.memory_space<vmem>>, %arg6: memref<5x128x128xf32, #tpu.memory_space<vmem>>, %arg7: memref<!tpu.dma_semaphore, #tpu.memory_space<semaphore_mem>>, %arg8: memref<!tpu.dma_semaphore, #tpu.memory_space<semaphore_mem>>, %arg9: memref<!tpu.dma_semaphore, #tpu.memory_space<semaphore_mem>>, %arg10: memref<!tpu.dma_semaphore, #tpu.memory_space<semaphore_mem>>, %arg11: memref<!tpu.dma_semaphore, #tpu.memory_space<semaphore_mem>>, %arg12: memref<!tpu.dma_semaphore, #tpu.memory_space<semaphore_mem>>, %arg13: memref<!tpu.dma_semaphore, #tpu.memory_space<semaphore_mem>>, %arg14: memref<!tpu.dma_semaphore, #tpu.memory_space<semaphore_mem>>, %arg15: memref<!tpu.dma_semaphore, #tpu.memory_space<semaphore_mem>>, %arg16: memref<!tpu.dma_semaphore, #tpu.memory_space<semaphore_mem>>) attributes {dimension_semantics = [#tpu.dimension_semantics<core_parallel>, #tpu.dimension_semantics<subcore_parallel>], iteration_bounds = array<i64: 2, 16>, scalar_prefetch = 0 : i64, scratch_operands = 12 : i64, tpu.core_type = #tpu.core_type<sc_vector_subcore>, window_params = [{transform_indices = #map}, {transform_indices = #map}, {transform_indices = #map1}]} {
    %mul3A = arith.constant 2 : i32
    %mul3A_0 = arith.muli %arg1, %mul3A : i32
    %add3A = arith.addi %mul3A_0, %arg0 : i32
    %mul3A_1 = arith.constant 128 : i32
    %mul3A_2 = arith.muli %add3A, %mul3A_1 : i32
    "tpu.region"() ({
      %run_scoped3A = tpu.sem_alloc : memref<!tpu.dma_semaphore, #tpu.memory_space<semaphore_mem>>
      %dma_start3A_134 = arith.constant 0 : i32
      %dma_start3A_135 = tpu.memref_slice %arg3[%dma_start3A_134, %mul3A_2] : memref<50x4096xi32, #tpu.memory_space<hbm>> -> memref<50x128xi32, #tpu.memory_space<hbm>>
      %dma_start3A_136 = arith.constant 0 : i32
      %dma_start3A_137 = tpu.memref_slice %arg3[%dma_start3A_136, %mul3A_2] : memref<50x4096xi32, #tpu.memory_space<hbm>> -> memref<50x128xi32, #tpu.memory_space<hbm>>
      tpu.enqueue_dma source(%dma_start3A_137 : memref<50x128xi32, #tpu.memory_space<hbm>>) target(%arg5 : memref<50x128xi32, #tpu.memory_space<vmem>>) target_semaphore(%run_scoped3A : memref<!tpu.dma_semaphore, #tpu.memory_space<semaphore_mem>>)
      %dma_wait3A_138 = arith.constant 0 : i32
      %dma_wait3A_139 = tpu.memref_slice %arg3[%dma_wait3A_138, %mul3A_2] : memref<50x4096xi32, #tpu.memory_space<hbm>> -> memref<50x128xi32, #tpu.memory_space<hbm>>
      %dma_wait3A_140 = arith.constant 0 : i32
      %dma_wait3A_141 = tpu.memref_slice %arg3[%dma_wait3A_140, %mul3A_2] : memref<50x4096xi32, #tpu.memory_space<hbm>> -> memref<50x128xi32, #tpu.memory_space<hbm>>
      tpu.wait_dma2 semaphore(%run_scoped3A : memref<!tpu.dma_semaphore, #tpu.memory_space<semaphore_mem>>) src(%dma_wait3A_141 : memref<50x128xi32, #tpu.memory_space<hbm>>) dst(%arg5 : memref<50x128xi32, #tpu.memory_space<vmem>>)
      tpu.yield
    }) : () -> ()
    %dma_start3A = arith.constant 0 : i32
    %dma_start3A_3 = arith.constant 0 : i32
    %dma_start3A_4 = arith.constant 0 : i32
    %dma_start3A_5 = arith.constant 0 : i32
    %dma_start3A_6 = tpu.memref_slice %arg6[%dma_start3A_3, %dma_start3A_4, %dma_start3A_5] : memref<5x128x128xf32, #tpu.memory_space<vmem>> -> memref<1x128x128xf32, #tpu.memory_space<vmem>>
    %dma_start3A_7 = tpu.memref_squeeze %dma_start3A_6 : memref<1x128x128xf32, #tpu.memory_space<vmem>> -> memref<128x128xf32, #tpu.memory_space<vmem>>
    %dma_start3A_8 = arith.constant 0 : i32
    %dma_start3A_9 = tpu.memref_slice %arg5[%dma_start3A, %dma_start3A_8] : memref<50x128xi32, #tpu.memory_space<vmem>> -> memref<1x128xi32, #tpu.memory_space<vmem>>
    %dma_start3A_10 = tpu.memref_squeeze %dma_start3A_9 : memref<1x128xi32, #tpu.memory_space<vmem>> -> memref<128xi32, #tpu.memory_space<vmem>>
    %dma_start3A_11 = arith.constant 0 : i32
    %dma_start3A_12 = arith.constant 0 : i32
    %dma_start3A_13 = tpu.memref_slice %arg2[%dma_start3A_11, %dma_start3A_12] : memref<100000x128xf32, #tpu.memory_space<hbm>> -> memref<100000x128xf32, #tpu.memory_space<hbm>>
    tpu.enqueue_indirect_dma source(%dma_start3A_13 : memref<100000x128xf32, #tpu.memory_space<hbm>>) target(%dma_start3A_7 : memref<128x128xf32, #tpu.memory_space<vmem>>) offsets(%dma_start3A_10 : memref<128xi32, #tpu.memory_space<vmem>>) semaphore(%arg7 : memref<!tpu.dma_semaphore, #tpu.memory_space<semaphore_mem>>)
    %dma_start3A_14 = arith.constant 1 : i32
    %dma_start3A_15 = arith.constant 1 : i32
    %dma_start3A_16 = arith.constant 0 : i32
    %dma_start3A_17 = arith.constant 0 : i32
    %dma_start3A_18 = tpu.memref_slice %arg6[%dma_start3A_15, %dma_start3A_16, %dma_start3A_17] : memref<5x128x128xf32, #tpu.memory_space<vmem>> -> memref<1x128x128xf32, #tpu.memory_space<vmem>>
    %dma_start3A_19 = tpu.memref_squeeze %dma_start3A_18 : memref<1x128x128xf32, #tpu.memory_space<vmem>> -> memref<128x128xf32, #tpu.memory_space<vmem>>
    %dma_start3A_20 = arith.constant 0 : i32
    %dma_start3A_21 = tpu.memref_slice %arg5[%dma_start3A_14, %dma_start3A_20] : memref<50x128xi32, #tpu.memory_space<vmem>> -> memref<1x128xi32, #tpu.memory_space<vmem>>
    %dma_start3A_22 = tpu.memref_squeeze %dma_start3A_21 : memref<1x128xi32, #tpu.memory_space<vmem>> -> memref<128xi32, #tpu.memory_space<vmem>>
    %dma_start3A_23 = arith.constant 0 : i32
    %dma_start3A_24 = arith.constant 0 : i32
    %dma_start3A_25 = tpu.memref_slice %arg2[%dma_start3A_23, %dma_start3A_24] : memref<100000x128xf32, #tpu.memory_space<hbm>> -> memref<100000x128xf32, #tpu.memory_space<hbm>>
    tpu.enqueue_indirect_dma source(%dma_start3A_25 : memref<100000x128xf32, #tpu.memory_space<hbm>>) target(%dma_start3A_19 : memref<128x128xf32, #tpu.memory_space<vmem>>) offsets(%dma_start3A_22 : memref<128xi32, #tpu.memory_space<vmem>>) semaphore(%arg8 : memref<!tpu.dma_semaphore, #tpu.memory_space<semaphore_mem>>)
    %dma_start3A_26 = arith.constant 2 : i32
    %dma_start3A_27 = arith.constant 2 : i32
    %dma_start3A_28 = arith.constant 0 : i32
    %dma_start3A_29 = arith.constant 0 : i32
    %dma_start3A_30 = tpu.memref_slice %arg6[%dma_start3A_27, %dma_start3A_28, %dma_start3A_29] : memref<5x128x128xf32, #tpu.memory_space<vmem>> -> memref<1x128x128xf32, #tpu.memory_space<vmem>>
    %dma_start3A_31 = tpu.memref_squeeze %dma_start3A_30 : memref<1x128x128xf32, #tpu.memory_space<vmem>> -> memref<128x128xf32, #tpu.memory_space<vmem>>
    %dma_start3A_32 = arith.constant 0 : i32
    %dma_start3A_33 = tpu.memref_slice %arg5[%dma_start3A_26, %dma_start3A_32] : memref<50x128xi32, #tpu.memory_space<vmem>> -> memref<1x128xi32, #tpu.memory_space<vmem>>
    %dma_start3A_34 = tpu.memref_squeeze %dma_start3A_33 : memref<1x128xi32, #tpu.memory_space<vmem>> -> memref<128xi32, #tpu.memory_space<vmem>>
    %dma_start3A_35 = arith.constant 0 : i32
    %dma_start3A_36 = arith.constant 0 : i32
    %dma_start3A_37 = tpu.memref_slice %arg2[%dma_start3A_35, %dma_start3A_36] : memref<100000x128xf32, #tpu.memory_space<hbm>> -> memref<100000x128xf32, #tpu.memory_space<hbm>>
    tpu.enqueue_indirect_dma source(%dma_start3A_37 : memref<100000x128xf32, #tpu.memory_space<hbm>>) target(%dma_start3A_31 : memref<128x128xf32, #tpu.memory_space<vmem>>) offsets(%dma_start3A_34 : memref<128xi32, #tpu.memory_space<vmem>>) semaphore(%arg9 : memref<!tpu.dma_semaphore, #tpu.memory_space<semaphore_mem>>)
    %dma_start3A_38 = arith.constant 3 : i32
    %dma_start3A_39 = arith.constant 3 : i32
    %dma_start3A_40 = arith.constant 0 : i32
    %dma_start3A_41 = arith.constant 0 : i32
    %dma_start3A_42 = tpu.memref_slice %arg6[%dma_start3A_39, %dma_start3A_40, %dma_start3A_41] : memref<5x128x128xf32, #tpu.memory_space<vmem>> -> memref<1x128x128xf32, #tpu.memory_space<vmem>>
    %dma_start3A_43 = tpu.memref_squeeze %dma_start3A_42 : memref<1x128x128xf32, #tpu.memory_space<vmem>> -> memref<128x128xf32, #tpu.memory_space<vmem>>
    %dma_start3A_44 = arith.constant 0 : i32
    %dma_start3A_45 = tpu.memref_slice %arg5[%dma_start3A_38, %dma_start3A_44] : memref<50x128xi32, #tpu.memory_space<vmem>> -> memref<1x128xi32, #tpu.memory_space<vmem>>
    %dma_start3A_46 = tpu.memref_squeeze %dma_start3A_45 : memref<1x128xi32, #tpu.memory_space<vmem>> -> memref<128xi32, #tpu.memory_space<vmem>>
    %dma_start3A_47 = arith.constant 0 : i32
    %dma_start3A_48 = arith.constant 0 : i32
    %dma_start3A_49 = tpu.memref_slice %arg2[%dma_start3A_47, %dma_start3A_48] : memref<100000x128xf32, #tpu.memory_space<hbm>> -> memref<100000x128xf32, #tpu.memory_space<hbm>>
    tpu.enqueue_indirect_dma source(%dma_start3A_49 : memref<100000x128xf32, #tpu.memory_space<hbm>>) target(%dma_start3A_43 : memref<128x128xf32, #tpu.memory_space<vmem>>) offsets(%dma_start3A_46 : memref<128xi32, #tpu.memory_space<vmem>>) semaphore(%arg10 : memref<!tpu.dma_semaphore, #tpu.memory_space<semaphore_mem>>)
    %scan3A = arith.constant 0 : i32
    %scan3A_50 = arith.constant 0 : i32
    %scan3A_51 = arith.constant 10 : i32
    %scan3A_52 = arith.addi %scan3A_50, %scan3A_51 : i32
    %scan3A_53 = arith.constant 1 : i32
    scf.for %scan3A_134 = %scan3A_50 to %scan3A_52 step %scan3A_53  : i32 {
      %mul3A_135 = arith.constant 5 : i32
      %mul3A_136 = arith.muli %scan3A_134, %mul3A_135 : i32
      %add3A_137 = arith.constant 0 : i32
      %add3A_138 = arith.addi %mul3A_136, %add3A_137 : i32
      %add3A_139 = arith.constant 5 : i32
      %add3A_140 = arith.addi %add3A_138, %add3A_139 : i32
      %sub3A = arith.constant 1 : i32
      %sub3A_141 = arith.subi %add3A_140, %sub3A : i32
      %lt3A = arith.constant 50 : i32
      %lt3A_142 = arith.cmpi slt, %sub3A_141, %lt3A : i32
      %convert_element_type3A = arith.extui %lt3A_142 : i1 to i32
      %cond3A = arith.constant 0 : i32
      %cond3A_143 = arith.cmpi ne, %convert_element_type3A, %cond3A : i32
      scf.if %cond3A_143 {
        %ge3A = arith.constant 1 : i32
        %ge3A_318 = arith.cmpi sge, %add3A_138, %ge3A : i32
        %convert_element_type3A_319 = arith.extui %ge3A_318 : i1 to i32
        %cond3A_320 = arith.constant 0 : i32
        %cond3A_321 = arith.cmpi ne, %convert_element_type3A_319, %cond3A_320 : i32
        scf.if %cond3A_321 {
          %sub3A_337 = arith.constant 1 : i32
          %sub3A_338 = arith.subi %add3A_138, %sub3A_337 : i32
          %dma_wait3A_339 = arith.constant 4 : i32
          %dma_wait3A_340 = arith.constant 0 : i32
          %dma_wait3A_341 = arith.constant 0 : i32
          %dma_wait3A_342 = tpu.memref_slice %arg6[%dma_wait3A_339, %dma_wait3A_340, %dma_wait3A_341] : memref<5x128x128xf32, #tpu.memory_space<vmem>> -> memref<1x128x128xf32, #tpu.memory_space<vmem>>
          %dma_wait3A_343 = tpu.memref_squeeze %dma_wait3A_342 : memref<1x128x128xf32, #tpu.memory_space<vmem>> -> memref<128x128xf32, #tpu.memory_space<vmem>>
          %dma_wait3A_344 = arith.constant 0 : i32
          %dma_wait3A_345 = tpu.memref_slice %arg4[%sub3A_338, %mul3A_2, %dma_wait3A_344] : memref<50x4096x128xf32, #tpu.memory_space<hbm>> -> memref<1x128x128xf32, #tpu.memory_space<hbm>>
          %dma_wait3A_346 = tpu.memref_squeeze %dma_wait3A_345 : memref<1x128x128xf32, #tpu.memory_space<hbm>> -> memref<128x128xf32, #tpu.memory_space<hbm>>
          %dma_wait3A_347 = arith.constant 0 : i32
          %dma_wait3A_348 = tpu.memref_slice %arg4[%sub3A_338, %mul3A_2, %dma_wait3A_347] : memref<50x4096x128xf32, #tpu.memory_space<hbm>> -> memref<1x128x128xf32, #tpu.memory_space<hbm>>
          %dma_wait3A_349 = tpu.memref_squeeze %dma_wait3A_348 : memref<1x128x128xf32, #tpu.memory_space<hbm>> -> memref<128x128xf32, #tpu.memory_space<hbm>>
          %dma_wait3A_350 = arith.constant 0 : i32
          %dma_wait3A_351 = arith.constant 0 : i32
          %dma_wait3A_352 = tpu.memref_slice %arg6[%dma_wait3A_339, %dma_wait3A_350, %dma_wait3A_351] : memref<5x128x128xf32, #tpu.memory_space<vmem>> -> memref<1x128x128xf32, #tpu.memory_space<vmem>>
          %dma_wait3A_353 = tpu.memref_squeeze %dma_wait3A_352 : memref<1x128x128xf32, #tpu.memory_space<vmem>> -> memref<128x128xf32, #tpu.memory_space<vmem>>
          tpu.wait_dma2 semaphore(%arg16 : memref<!tpu.dma_semaphore, #tpu.memory_space<semaphore_mem>>) src(%dma_wait3A_353 : memref<128x128xf32, #tpu.memory_space<vmem>>) dst(%dma_wait3A_349 : memref<128x128xf32, #tpu.memory_space<hbm>>)
        } else {
        }
        %add3A_322 = arith.constant 5 : i32
        %add3A_323 = arith.addi %add3A_138, %add3A_322 : i32
        %sub3A_324 = arith.constant 1 : i32
        %sub3A_325 = arith.subi %add3A_323, %sub3A_324 : i32
        %dma_start3A_326 = arith.constant 4 : i32
        %dma_start3A_327 = arith.constant 0 : i32
        %dma_start3A_328 = arith.constant 0 : i32
        %dma_start3A_329 = tpu.memref_slice %arg6[%dma_start3A_326, %dma_start3A_327, %dma_start3A_328] : memref<5x128x128xf32, #tpu.memory_space<vmem>> -> memref<1x128x128xf32, #tpu.memory_space<vmem>>
        %dma_start3A_330 = tpu.memref_squeeze %dma_start3A_329 : memref<1x128x128xf32, #tpu.memory_space<vmem>> -> memref<128x128xf32, #tpu.memory_space<vmem>>
        %dma_start3A_331 = arith.constant 0 : i32
        %dma_start3A_332 = tpu.memref_slice %arg5[%sub3A_325, %dma_start3A_331] : memref<50x128xi32, #tpu.memory_space<vmem>> -> memref<1x128xi32, #tpu.memory_space<vmem>>
        %dma_start3A_333 = tpu.memref_squeeze %dma_start3A_332 : memref<1x128xi32, #tpu.memory_space<vmem>> -> memref<128xi32, #tpu.memory_space<vmem>>
        %dma_start3A_334 = arith.constant 0 : i32
        %dma_start3A_335 = arith.constant 0 : i32
        %dma_start3A_336 = tpu.memref_slice %arg2[%dma_start3A_334, %dma_start3A_335] : memref<100000x128xf32, #tpu.memory_space<hbm>> -> memref<100000x128xf32, #tpu.memory_space<hbm>>
        tpu.enqueue_indirect_dma source(%dma_start3A_336 : memref<100000x128xf32, #tpu.memory_space<hbm>>) target(%dma_start3A_330 : memref<128x128xf32, #tpu.memory_space<vmem>>) offsets(%dma_start3A_333 : memref<128xi32, #tpu.memory_space<vmem>>) semaphore(%arg11 : memref<!tpu.dma_semaphore, #tpu.memory_space<semaphore_mem>>)
      } else {
      }
      %dma_wait3A_144 = arith.constant 0 : i32
      %dma_wait3A_145 = arith.constant 0 : i32
      %dma_wait3A_146 = arith.constant 0 : i32
      %dma_wait3A_147 = tpu.memref_slice %arg6[%dma_wait3A_144, %dma_wait3A_145, %dma_wait3A_146] : memref<5x128x128xf32, #tpu.memory_space<vmem>> -> memref<1x128x128xf32, #tpu.memory_space<vmem>>
      %dma_wait3A_148 = tpu.memref_squeeze %dma_wait3A_147 : memref<1x128x128xf32, #tpu.memory_space<vmem>> -> memref<128x128xf32, #tpu.memory_space<vmem>>
      %dma_wait3A_149 = arith.constant 0 : i32
      %dma_wait3A_150 = tpu.memref_slice %arg5[%add3A_138, %dma_wait3A_149] : memref<50x128xi32, #tpu.memory_space<vmem>> -> memref<1x128xi32, #tpu.memory_space<vmem>>
      %dma_wait3A_151 = tpu.memref_squeeze %dma_wait3A_150 : memref<1x128xi32, #tpu.memory_space<vmem>> -> memref<128xi32, #tpu.memory_space<vmem>>
      %dma_wait3A_152 = arith.constant 0 : i32
      %dma_wait3A_153 = arith.constant 0 : i32
      %dma_wait3A_154 = tpu.memref_slice %arg2[%dma_wait3A_152, %dma_wait3A_153] : memref<100000x128xf32, #tpu.memory_space<hbm>> -> memref<100000x128xf32, #tpu.memory_space<hbm>>
      tpu.wait_indirect_dma semaphore(%arg7 : memref<!tpu.dma_semaphore, #tpu.memory_space<semaphore_mem>>) src(%dma_wait3A_154 : memref<100000x128xf32, #tpu.memory_space<hbm>>) dst(%dma_wait3A_148 : memref<128x128xf32, #tpu.memory_space<vmem>>)
      %dma_start3A_155 = arith.constant 0 : i32
      %dma_start3A_156 = arith.constant 0 : i32
      %dma_start3A_157 = arith.constant 0 : i32
      %dma_start3A_158 = tpu.memref_slice %arg6[%dma_start3A_155, %dma_start3A_156, %dma_start3A_157] : memref<5x128x128xf32, #tpu.memory_space<vmem>> -> memref<1x128x128xf32, #tpu.memory_space<vmem>>
      %dma_start3A_159 = tpu.memref_squeeze %dma_start3A_158 : memref<1x128x128xf32, #tpu.memory_space<vmem>> -> memref<128x128xf32, #tpu.memory_space<vmem>>
      %dma_start3A_160 = arith.constant 0 : i32
      %dma_start3A_161 = tpu.memref_slice %arg4[%add3A_138, %mul3A_2, %dma_start3A_160] : memref<50x4096x128xf32, #tpu.memory_space<hbm>> -> memref<1x128x128xf32, #tpu.memory_space<hbm>>
      %dma_start3A_162 = tpu.memref_squeeze %dma_start3A_161 : memref<1x128x128xf32, #tpu.memory_space<hbm>> -> memref<128x128xf32, #tpu.memory_space<hbm>>
      %dma_start3A_163 = arith.constant 0 : i32
      %dma_start3A_164 = tpu.memref_slice %arg4[%add3A_138, %mul3A_2, %dma_start3A_163] : memref<50x4096x128xf32, #tpu.memory_space<hbm>> -> memref<1x128x128xf32, #tpu.memory_space<hbm>>
      %dma_start3A_165 = tpu.memref_squeeze %dma_start3A_164 : memref<1x128x128xf32, #tpu.memory_space<hbm>> -> memref<128x128xf32, #tpu.memory_space<hbm>>
      %dma_start3A_166 = arith.constant 0 : i32
      %dma_start3A_167 = arith.constant 0 : i32
      %dma_start3A_168 = tpu.memref_slice %arg6[%dma_start3A_155, %dma_start3A_166, %dma_start3A_167] : memref<5x128x128xf32, #tpu.memory_space<vmem>> -> memref<1x128x128xf32, #tpu.memory_space<vmem>>
      %dma_start3A_169 = tpu.memref_squeeze %dma_start3A_168 : memref<1x128x128xf32, #tpu.memory_space<vmem>> -> memref<128x128xf32, #tpu.memory_space<vmem>>
      tpu.enqueue_dma source(%dma_start3A_169 : memref<128x128xf32, #tpu.memory_space<vmem>>) target(%dma_start3A_165 : memref<128x128xf32, #tpu.memory_space<hbm>>) target_semaphore(%arg12 : memref<!tpu.dma_semaphore, #tpu.memory_space<semaphore_mem>>)
      %add3A_170 = arith.constant 1 : i32
      %add3A_171 = arith.addi %mul3A_136, %add3A_170 : i32
      %add3A_172 = arith.constant 5 : i32
      %add3A_173 = arith.addi %add3A_171, %add3A_172 : i32
      %sub3A_174 = arith.constant 1 : i32
      %sub3A_175 = arith.subi %add3A_173, %sub3A_174 : i32
      %lt3A_176 = arith.constant 50 : i32
      %lt3A_177 = arith.cmpi slt, %sub3A_175, %lt3A_176 : i32
      %convert_element_type3A_178 = arith.extui %lt3A_177 : i1 to i32
      %cond3A_179 = arith.constant 0 : i32
      %cond3A_180 = arith.cmpi ne, %convert_element_type3A_178, %cond3A_179 : i32
      scf.if %cond3A_180 {
        %ge3A = arith.constant 1 : i32
        %ge3A_318 = arith.cmpi sge, %add3A_171, %ge3A : i32
        %convert_element_type3A_319 = arith.extui %ge3A_318 : i1 to i32
        %cond3A_320 = arith.constant 0 : i32
        %cond3A_321 = arith.cmpi ne, %convert_element_type3A_319, %cond3A_320 : i32
        scf.if %cond3A_321 {
          %sub3A_337 = arith.constant 1 : i32
          %sub3A_338 = arith.subi %add3A_171, %sub3A_337 : i32
          %dma_wait3A_339 = arith.constant 0 : i32
          %dma_wait3A_340 = arith.constant 0 : i32
          %dma_wait3A_341 = arith.constant 0 : i32
          %dma_wait3A_342 = tpu.memref_slice %arg6[%dma_wait3A_339, %dma_wait3A_340, %dma_wait3A_341] : memref<5x128x128xf32, #tpu.memory_space<vmem>> -> memref<1x128x128xf32, #tpu.memory_space<vmem>>
          %dma_wait3A_343 = tpu.memref_squeeze %dma_wait3A_342 : memref<1x128x128xf32, #tpu.memory_space<vmem>> -> memref<128x128xf32, #tpu.memory_space<vmem>>
          %dma_wait3A_344 = arith.constant 0 : i32
          %dma_wait3A_345 = tpu.memref_slice %arg4[%sub3A_338, %mul3A_2, %dma_wait3A_344] : memref<50x4096x128xf32, #tpu.memory_space<hbm>> -> memref<1x128x128xf32, #tpu.memory_space<hbm>>
          %dma_wait3A_346 = tpu.memref_squeeze %dma_wait3A_345 : memref<1x128x128xf32, #tpu.memory_space<hbm>> -> memref<128x128xf32, #tpu.memory_space<hbm>>
          %dma_wait3A_347 = arith.constant 0 : i32
          %dma_wait3A_348 = tpu.memref_slice %arg4[%sub3A_338, %mul3A_2, %dma_wait3A_347] : memref<50x4096x128xf32, #tpu.memory_space<hbm>> -> memref<1x128x128xf32, #tpu.memory_space<hbm>>
          %dma_wait3A_349 = tpu.memref_squeeze %dma_wait3A_348 : memref<1x128x128xf32, #tpu.memory_space<hbm>> -> memref<128x128xf32, #tpu.memory_space<hbm>>
          %dma_wait3A_350 = arith.constant 0 : i32
          %dma_wait3A_351 = arith.constant 0 : i32
          %dma_wait3A_352 = tpu.memref_slice %arg6[%dma_wait3A_339, %dma_wait3A_350, %dma_wait3A_351] : memref<5x128x128xf32, #tpu.memory_space<vmem>> -> memref<1x128x128xf32, #tpu.memory_space<vmem>>
          %dma_wait3A_353 = tpu.memref_squeeze %dma_wait3A_352 : memref<1x128x128xf32, #tpu.memory_space<vmem>> -> memref<128x128xf32, #tpu.memory_space<vmem>>
          tpu.wait_dma2 semaphore(%arg12 : memref<!tpu.dma_semaphore, #tpu.memory_space<semaphore_mem>>) src(%dma_wait3A_353 : memref<128x128xf32, #tpu.memory_space<vmem>>) dst(%dma_wait3A_349 : memref<128x128xf32, #tpu.memory_space<hbm>>)
        } else {
        }
        %add3A_322 = arith.constant 5 : i32
        %add3A_323 = arith.addi %add3A_171, %add3A_322 : i32
        %sub3A_324 = arith.constant 1 : i32
        %sub3A_325 = arith.subi %add3A_323, %sub3A_324 : i32
        %dma_start3A_326 = arith.constant 0 : i32
        %dma_start3A_327 = arith.constant 0 : i32
        %dma_start3A_328 = arith.constant 0 : i32
        %dma_start3A_329 = tpu.memref_slice %arg6[%dma_start3A_326, %dma_start3A_327, %dma_start3A_328] : memref<5x128x128xf32, #tpu.memory_space<vmem>> -> memref<1x128x128xf32, #tpu.memory_space<vmem>>
        %dma_start3A_330 = tpu.memref_squeeze %dma_start3A_329 : memref<1x128x128xf32, #tpu.memory_space<vmem>> -> memref<128x128xf32, #tpu.memory_space<vmem>>
        %dma_start3A_331 = arith.constant 0 : i32
        %dma_start3A_332 = tpu.memref_slice %arg5[%sub3A_325, %dma_start3A_331] : memref<50x128xi32, #tpu.memory_space<vmem>> -> memref<1x128xi32, #tpu.memory_space<vmem>>
        %dma_start3A_333 = tpu.memref_squeeze %dma_start3A_332 : memref<1x128xi32, #tpu.memory_space<vmem>> -> memref<128xi32, #tpu.memory_space<vmem>>
        %dma_start3A_334 = arith.constant 0 : i32
        %dma_start3A_335 = arith.constant 0 : i32
        %dma_start3A_336 = tpu.memref_slice %arg2[%dma_start3A_334, %dma_start3A_335] : memref<100000x128xf32, #tpu.memory_space<hbm>> -> memref<100000x128xf32, #tpu.memory_space<hbm>>
        tpu.enqueue_indirect_dma source(%dma_start3A_336 : memref<100000x128xf32, #tpu.memory_space<hbm>>) target(%dma_start3A_330 : memref<128x128xf32, #tpu.memory_space<vmem>>) offsets(%dma_start3A_333 : memref<128xi32, #tpu.memory_space<vmem>>) semaphore(%arg7 : memref<!tpu.dma_semaphore, #tpu.memory_space<semaphore_mem>>)
      } else {
      }
      %dma_wait3A_181 = arith.constant 1 : i32
      %dma_wait3A_182 = arith.constant 0 : i32
      %dma_wait3A_183 = arith.constant 0 : i32
      %dma_wait3A_184 = tpu.memref_slice %arg6[%dma_wait3A_181, %dma_wait3A_182, %dma_wait3A_183] : memref<5x128x128xf32, #tpu.memory_space<vmem>> -> memref<1x128x128xf32, #tpu.memory_space<vmem>>
      %dma_wait3A_185 = tpu.memref_squeeze %dma_wait3A_184 : memref<1x128x128xf32, #tpu.memory_space<vmem>> -> memref<128x128xf32, #tpu.memory_space<vmem>>
      %dma_wait3A_186 = arith.constant 0 : i32
      %dma_wait3A_187 = tpu.memref_slice %arg5[%add3A_171, %dma_wait3A_186] : memref<50x128xi32, #tpu.memory_space<vmem>> -> memref<1x128xi32, #tpu.memory_space<vmem>>
      %dma_wait3A_188 = tpu.memref_squeeze %dma_wait3A_187 : memref<1x128xi32, #tpu.memory_space<vmem>> -> memref<128xi32, #tpu.memory_space<vmem>>
      %dma_wait3A_189 = arith.constant 0 : i32
      %dma_wait3A_190 = arith.constant 0 : i32
      %dma_wait3A_191 = tpu.memref_slice %arg2[%dma_wait3A_189, %dma_wait3A_190] : memref<100000x128xf32, #tpu.memory_space<hbm>> -> memref<100000x128xf32, #tpu.memory_space<hbm>>
      tpu.wait_indirect_dma semaphore(%arg8 : memref<!tpu.dma_semaphore, #tpu.memory_space<semaphore_mem>>) src(%dma_wait3A_191 : memref<100000x128xf32, #tpu.memory_space<hbm>>) dst(%dma_wait3A_185 : memref<128x128xf32, #tpu.memory_space<vmem>>)
      %dma_start3A_192 = arith.constant 1 : i32
      %dma_start3A_193 = arith.constant 0 : i32
      %dma_start3A_194 = arith.constant 0 : i32
      %dma_start3A_195 = tpu.memref_slice %arg6[%dma_start3A_192, %dma_start3A_193, %dma_start3A_194] : memref<5x128x128xf32, #tpu.memory_space<vmem>> -> memref<1x128x128xf32, #tpu.memory_space<vmem>>
      %dma_start3A_196 = tpu.memref_squeeze %dma_start3A_195 : memref<1x128x128xf32, #tpu.memory_space<vmem>> -> memref<128x128xf32, #tpu.memory_space<vmem>>
      %dma_start3A_197 = arith.constant 0 : i32
      %dma_start3A_198 = tpu.memref_slice %arg4[%add3A_171, %mul3A_2, %dma_start3A_197] : memref<50x4096x128xf32, #tpu.memory_space<hbm>> -> memref<1x128x128xf32, #tpu.memory_space<hbm>>
      %dma_start3A_199 = tpu.memref_squeeze %dma_start3A_198 : memref<1x128x128xf32, #tpu.memory_space<hbm>> -> memref<128x128xf32, #tpu.memory_space<hbm>>
      %dma_start3A_200 = arith.constant 0 : i32
      %dma_start3A_201 = tpu.memref_slice %arg4[%add3A_171, %mul3A_2, %dma_start3A_200] : memref<50x4096x128xf32, #tpu.memory_space<hbm>> -> memref<1x128x128xf32, #tpu.memory_space<hbm>>
      %dma_start3A_202 = tpu.memref_squeeze %dma_start3A_201 : memref<1x128x128xf32, #tpu.memory_space<hbm>> -> memref<128x128xf32, #tpu.memory_space<hbm>>
      %dma_start3A_203 = arith.constant 0 : i32
      %dma_start3A_204 = arith.constant 0 : i32
      %dma_start3A_205 = tpu.memref_slice %arg6[%dma_start3A_192, %dma_start3A_203, %dma_start3A_204] : memref<5x128x128xf32, #tpu.memory_space<vmem>> -> memref<1x128x128xf32, #tpu.memory_space<vmem>>
      %dma_start3A_206 = tpu.memref_squeeze %dma_start3A_205 : memref<1x128x128xf32, #tpu.memory_space<vmem>> -> memref<128x128xf32, #tpu.memory_space<vmem>>
      tpu.enqueue_dma source(%dma_start3A_206 : memref<128x128xf32, #tpu.memory_space<vmem>>) target(%dma_start3A_202 : memref<128x128xf32, #tpu.memory_space<hbm>>) target_semaphore(%arg13 : memref<!tpu.dma_semaphore, #tpu.memory_space<semaphore_mem>>)
      %add3A_207 = arith.constant 2 : i32
      %add3A_208 = arith.addi %mul3A_136, %add3A_207 : i32
      %add3A_209 = arith.constant 5 : i32
      %add3A_210 = arith.addi %add3A_208, %add3A_209 : i32
      %sub3A_211 = arith.constant 1 : i32
      %sub3A_212 = arith.subi %add3A_210, %sub3A_211 : i32
      %lt3A_213 = arith.constant 50 : i32
      %lt3A_214 = arith.cmpi slt, %sub3A_212, %lt3A_213 : i32
      %convert_element_type3A_215 = arith.extui %lt3A_214 : i1 to i32
      %cond3A_216 = arith.constant 0 : i32
      %cond3A_217 = arith.cmpi ne, %convert_element_type3A_215, %cond3A_216 : i32
      scf.if %cond3A_217 {
        %ge3A = arith.constant 1 : i32
        %ge3A_318 = arith.cmpi sge, %add3A_208, %ge3A : i32
        %convert_element_type3A_319 = arith.extui %ge3A_318 : i1 to i32
        %cond3A_320 = arith.constant 0 : i32
        %cond3A_321 = arith.cmpi ne, %convert_element_type3A_319, %cond3A_320 : i32
        scf.if %cond3A_321 {
          %sub3A_337 = arith.constant 1 : i32
          %sub3A_338 = arith.subi %add3A_208, %sub3A_337 : i32
          %dma_wait3A_339 = arith.constant 1 : i32
          %dma_wait3A_340 = arith.constant 0 : i32
          %dma_wait3A_341 = arith.constant 0 : i32
          %dma_wait3A_342 = tpu.memref_slice %arg6[%dma_wait3A_339, %dma_wait3A_340, %dma_wait3A_341] : memref<5x128x128xf32, #tpu.memory_space<vmem>> -> memref<1x128x128xf32, #tpu.memory_space<vmem>>
          %dma_wait3A_343 = tpu.memref_squeeze %dma_wait3A_342 : memref<1x128x128xf32, #tpu.memory_space<vmem>> -> memref<128x128xf32, #tpu.memory_space<vmem>>
          %dma_wait3A_344 = arith.constant 0 : i32
          %dma_wait3A_345 = tpu.memref_slice %arg4[%sub3A_338, %mul3A_2, %dma_wait3A_344] : memref<50x4096x128xf32, #tpu.memory_space<hbm>> -> memref<1x128x128xf32, #tpu.memory_space<hbm>>
          %dma_wait3A_346 = tpu.memref_squeeze %dma_wait3A_345 : memref<1x128x128xf32, #tpu.memory_space<hbm>> -> memref<128x128xf32, #tpu.memory_space<hbm>>
          %dma_wait3A_347 = arith.constant 0 : i32
          %dma_wait3A_348 = tpu.memref_slice %arg4[%sub3A_338, %mul3A_2, %dma_wait3A_347] : memref<50x4096x128xf32, #tpu.memory_space<hbm>> -> memref<1x128x128xf32, #tpu.memory_space<hbm>>
          %dma_wait3A_349 = tpu.memref_squeeze %dma_wait3A_348 : memref<1x128x128xf32, #tpu.memory_space<hbm>> -> memref<128x128xf32, #tpu.memory_space<hbm>>
          %dma_wait3A_350 = arith.constant 0 : i32
          %dma_wait3A_351 = arith.constant 0 : i32
          %dma_wait3A_352 = tpu.memref_slice %arg6[%dma_wait3A_339, %dma_wait3A_350, %dma_wait3A_351] : memref<5x128x128xf32, #tpu.memory_space<vmem>> -> memref<1x128x128xf32, #tpu.memory_space<vmem>>
          %dma_wait3A_353 = tpu.memref_squeeze %dma_wait3A_352 : memref<1x128x128xf32, #tpu.memory_space<vmem>> -> memref<128x128xf32, #tpu.memory_space<vmem>>
          tpu.wait_dma2 semaphore(%arg13 : memref<!tpu.dma_semaphore, #tpu.memory_space<semaphore_mem>>) src(%dma_wait3A_353 : memref<128x128xf32, #tpu.memory_space<vmem>>) dst(%dma_wait3A_349 : memref<128x128xf32, #tpu.memory_space<hbm>>)
        } else {
        }
        %add3A_322 = arith.constant 5 : i32
        %add3A_323 = arith.addi %add3A_208, %add3A_322 : i32
        %sub3A_324 = arith.constant 1 : i32
        %sub3A_325 = arith.subi %add3A_323, %sub3A_324 : i32
        %dma_start3A_326 = arith.constant 1 : i32
        %dma_start3A_327 = arith.constant 0 : i32
        %dma_start3A_328 = arith.constant 0 : i32
        %dma_start3A_329 = tpu.memref_slice %arg6[%dma_start3A_326, %dma_start3A_327, %dma_start3A_328] : memref<5x128x128xf32, #tpu.memory_space<vmem>> -> memref<1x128x128xf32, #tpu.memory_space<vmem>>
        %dma_start3A_330 = tpu.memref_squeeze %dma_start3A_329 : memref<1x128x128xf32, #tpu.memory_space<vmem>> -> memref<128x128xf32, #tpu.memory_space<vmem>>
        %dma_start3A_331 = arith.constant 0 : i32
        %dma_start3A_332 = tpu.memref_slice %arg5[%sub3A_325, %dma_start3A_331] : memref<50x128xi32, #tpu.memory_space<vmem>> -> memref<1x128xi32, #tpu.memory_space<vmem>>
        %dma_start3A_333 = tpu.memref_squeeze %dma_start3A_332 : memref<1x128xi32, #tpu.memory_space<vmem>> -> memref<128xi32, #tpu.memory_space<vmem>>
        %dma_start3A_334 = arith.constant 0 : i32
        %dma_start3A_335 = arith.constant 0 : i32
        %dma_start3A_336 = tpu.memref_slice %arg2[%dma_start3A_334, %dma_start3A_335] : memref<100000x128xf32, #tpu.memory_space<hbm>> -> memref<100000x128xf32, #tpu.memory_space<hbm>>
        tpu.enqueue_indirect_dma source(%dma_start3A_336 : memref<100000x128xf32, #tpu.memory_space<hbm>>) target(%dma_start3A_330 : memref<128x128xf32, #tpu.memory_space<vmem>>) offsets(%dma_start3A_333 : memref<128xi32, #tpu.memory_space<vmem>>) semaphore(%arg8 : memref<!tpu.dma_semaphore, #tpu.memory_space<semaphore_mem>>)
      } else {
      }
      %dma_wait3A_218 = arith.constant 2 : i32
      %dma_wait3A_219 = arith.constant 0 : i32
      %dma_wait3A_220 = arith.constant 0 : i32
      %dma_wait3A_221 = tpu.memref_slice %arg6[%dma_wait3A_218, %dma_wait3A_219, %dma_wait3A_220] : memref<5x128x128xf32, #tpu.memory_space<vmem>> -> memref<1x128x128xf32, #tpu.memory_space<vmem>>
      %dma_wait3A_222 = tpu.memref_squeeze %dma_wait3A_221 : memref<1x128x128xf32, #tpu.memory_space<vmem>> -> memref<128x128xf32, #tpu.memory_space<vmem>>
      %dma_wait3A_223 = arith.constant 0 : i32
      %dma_wait3A_224 = tpu.memref_slice %arg5[%add3A_208, %dma_wait3A_223] : memref<50x128xi32, #tpu.memory_space<vmem>> -> memref<1x128xi32, #tpu.memory_space<vmem>>
      %dma_wait3A_225 = tpu.memref_squeeze %dma_wait3A_224 : memref<1x128xi32, #tpu.memory_space<vmem>> -> memref<128xi32, #tpu.memory_space<vmem>>
      %dma_wait3A_226 = arith.constant 0 : i32
      %dma_wait3A_227 = arith.constant 0 : i32
      %dma_wait3A_228 = tpu.memref_slice %arg2[%dma_wait3A_226, %dma_wait3A_227] : memref<100000x128xf32, #tpu.memory_space<hbm>> -> memref<100000x128xf32, #tpu.memory_space<hbm>>
      tpu.wait_indirect_dma semaphore(%arg9 : memref<!tpu.dma_semaphore, #tpu.memory_space<semaphore_mem>>) src(%dma_wait3A_228 : memref<100000x128xf32, #tpu.memory_space<hbm>>) dst(%dma_wait3A_222 : memref<128x128xf32, #tpu.memory_space<vmem>>)
      %dma_start3A_229 = arith.constant 2 : i32
      %dma_start3A_230 = arith.constant 0 : i32
      %dma_start3A_231 = arith.constant 0 : i32
      %dma_start3A_232 = tpu.memref_slice %arg6[%dma_start3A_229, %dma_start3A_230, %dma_start3A_231] : memref<5x128x128xf32, #tpu.memory_space<vmem>> -> memref<1x128x128xf32, #tpu.memory_space<vmem>>
      %dma_start3A_233 = tpu.memref_squeeze %dma_start3A_232 : memref<1x128x128xf32, #tpu.memory_space<vmem>> -> memref<128x128xf32, #tpu.memory_space<vmem>>
      %dma_start3A_234 = arith.constant 0 : i32
      %dma_start3A_235 = tpu.memref_slice %arg4[%add3A_208, %mul3A_2, %dma_start3A_234] : memref<50x4096x128xf32, #tpu.memory_space<hbm>> -> memref<1x128x128xf32, #tpu.memory_space<hbm>>
      %dma_start3A_236 = tpu.memref_squeeze %dma_start3A_235 : memref<1x128x128xf32, #tpu.memory_space<hbm>> -> memref<128x128xf32, #tpu.memory_space<hbm>>
      %dma_start3A_237 = arith.constant 0 : i32
      %dma_start3A_238 = tpu.memref_slice %arg4[%add3A_208, %mul3A_2, %dma_start3A_237] : memref<50x4096x128xf32, #tpu.memory_space<hbm>> -> memref<1x128x128xf32, #tpu.memory_space<hbm>>
      %dma_start3A_239 = tpu.memref_squeeze %dma_start3A_238 : memref<1x128x128xf32, #tpu.memory_space<hbm>> -> memref<128x128xf32, #tpu.memory_space<hbm>>
      %dma_start3A_240 = arith.constant 0 : i32
      %dma_start3A_241 = arith.constant 0 : i32
      %dma_start3A_242 = tpu.memref_slice %arg6[%dma_start3A_229, %dma_start3A_240, %dma_start3A_241] : memref<5x128x128xf32, #tpu.memory_space<vmem>> -> memref<1x128x128xf32, #tpu.memory_space<vmem>>
      %dma_start3A_243 = tpu.memref_squeeze %dma_start3A_242 : memref<1x128x128xf32, #tpu.memory_space<vmem>> -> memref<128x128xf32, #tpu.memory_space<vmem>>
      tpu.enqueue_dma source(%dma_start3A_243 : memref<128x128xf32, #tpu.memory_space<vmem>>) target(%dma_start3A_239 : memref<128x128xf32, #tpu.memory_space<hbm>>) target_semaphore(%arg14 : memref<!tpu.dma_semaphore, #tpu.memory_space<semaphore_mem>>)
      %add3A_244 = arith.constant 3 : i32
      %add3A_245 = arith.addi %mul3A_136, %add3A_244 : i32
      %add3A_246 = arith.constant 5 : i32
      %add3A_247 = arith.addi %add3A_245, %add3A_246 : i32
      %sub3A_248 = arith.constant 1 : i32
      %sub3A_249 = arith.subi %add3A_247, %sub3A_248 : i32
      %lt3A_250 = arith.constant 50 : i32
      %lt3A_251 = arith.cmpi slt, %sub3A_249, %lt3A_250 : i32
      %convert_element_type3A_252 = arith.extui %lt3A_251 : i1 to i32
      %cond3A_253 = arith.constant 0 : i32
      %cond3A_254 = arith.cmpi ne, %convert_element_type3A_252, %cond3A_253 : i32
      scf.if %cond3A_254 {
        %ge3A = arith.constant 1 : i32
        %ge3A_318 = arith.cmpi sge, %add3A_245, %ge3A : i32
        %convert_element_type3A_319 = arith.extui %ge3A_318 : i1 to i32
        %cond3A_320 = arith.constant 0 : i32
        %cond3A_321 = arith.cmpi ne, %convert_element_type3A_319, %cond3A_320 : i32
        scf.if %cond3A_321 {
          %sub3A_337 = arith.constant 1 : i32
          %sub3A_338 = arith.subi %add3A_245, %sub3A_337 : i32
          %dma_wait3A_339 = arith.constant 2 : i32
          %dma_wait3A_340 = arith.constant 0 : i32
          %dma_wait3A_341 = arith.constant 0 : i32
          %dma_wait3A_342 = tpu.memref_slice %arg6[%dma_wait3A_339, %dma_wait3A_340, %dma_wait3A_341] : memref<5x128x128xf32, #tpu.memory_space<vmem>> -> memref<1x128x128xf32, #tpu.memory_space<vmem>>
          %dma_wait3A_343 = tpu.memref_squeeze %dma_wait3A_342 : memref<1x128x128xf32, #tpu.memory_space<vmem>> -> memref<128x128xf32, #tpu.memory_space<vmem>>
          %dma_wait3A_344 = arith.constant 0 : i32
          %dma_wait3A_345 = tpu.memref_slice %arg4[%sub3A_338, %mul3A_2, %dma_wait3A_344] : memref<50x4096x128xf32, #tpu.memory_space<hbm>> -> memref<1x128x128xf32, #tpu.memory_space<hbm>>
          %dma_wait3A_346 = tpu.memref_squeeze %dma_wait3A_345 : memref<1x128x128xf32, #tpu.memory_space<hbm>> -> memref<128x128xf32, #tpu.memory_space<hbm>>
          %dma_wait3A_347 = arith.constant 0 : i32
          %dma_wait3A_348 = tpu.memref_slice %arg4[%sub3A_338, %mul3A_2, %dma_wait3A_347] : memref<50x4096x128xf32, #tpu.memory_space<hbm>> -> memref<1x128x128xf32, #tpu.memory_space<hbm>>
          %dma_wait3A_349 = tpu.memref_squeeze %dma_wait3A_348 : memref<1x128x128xf32, #tpu.memory_space<hbm>> -> memref<128x128xf32, #tpu.memory_space<hbm>>
          %dma_wait3A_350 = arith.constant 0 : i32
          %dma_wait3A_351 = arith.constant 0 : i32
          %dma_wait3A_352 = tpu.memref_slice %arg6[%dma_wait3A_339, %dma_wait3A_350, %dma_wait3A_351] : memref<5x128x128xf32, #tpu.memory_space<vmem>> -> memref<1x128x128xf32, #tpu.memory_space<vmem>>
          %dma_wait3A_353 = tpu.memref_squeeze %dma_wait3A_352 : memref<1x128x128xf32, #tpu.memory_space<vmem>> -> memref<128x128xf32, #tpu.memory_space<vmem>>
          tpu.wait_dma2 semaphore(%arg14 : memref<!tpu.dma_semaphore, #tpu.memory_space<semaphore_mem>>) src(%dma_wait3A_353 : memref<128x128xf32, #tpu.memory_space<vmem>>) dst(%dma_wait3A_349 : memref<128x128xf32, #tpu.memory_space<hbm>>)
        } else {
        }
        %add3A_322 = arith.constant 5 : i32
        %add3A_323 = arith.addi %add3A_245, %add3A_322 : i32
        %sub3A_324 = arith.constant 1 : i32
        %sub3A_325 = arith.subi %add3A_323, %sub3A_324 : i32
        %dma_start3A_326 = arith.constant 2 : i32
        %dma_start3A_327 = arith.constant 0 : i32
        %dma_start3A_328 = arith.constant 0 : i32
        %dma_start3A_329 = tpu.memref_slice %arg6[%dma_start3A_326, %dma_start3A_327, %dma_start3A_328] : memref<5x128x128xf32, #tpu.memory_space<vmem>> -> memref<1x128x128xf32, #tpu.memory_space<vmem>>
        %dma_start3A_330 = tpu.memref_squeeze %dma_start3A_329 : memref<1x128x128xf32, #tpu.memory_space<vmem>> -> memref<128x128xf32, #tpu.memory_space<vmem>>
        %dma_start3A_331 = arith.constant 0 : i32
        %dma_start3A_332 = tpu.memref_slice %arg5[%sub3A_325, %dma_start3A_331] : memref<50x128xi32, #tpu.memory_space<vmem>> -> memref<1x128xi32, #tpu.memory_space<vmem>>
        %dma_start3A_333 = tpu.memref_squeeze %dma_start3A_332 : memref<1x128xi32, #tpu.memory_space<vmem>> -> memref<128xi32, #tpu.memory_space<vmem>>
        %dma_start3A_334 = arith.constant 0 : i32
        %dma_start3A_335 = arith.constant 0 : i32
        %dma_start3A_336 = tpu.memref_slice %arg2[%dma_start3A_334, %dma_start3A_335] : memref<100000x128xf32, #tpu.memory_space<hbm>> -> memref<100000x128xf32, #tpu.memory_space<hbm>>
        tpu.enqueue_indirect_dma source(%dma_start3A_336 : memref<100000x128xf32, #tpu.memory_space<hbm>>) target(%dma_start3A_330 : memref<128x128xf32, #tpu.memory_space<vmem>>) offsets(%dma_start3A_333 : memref<128xi32, #tpu.memory_space<vmem>>) semaphore(%arg9 : memref<!tpu.dma_semaphore, #tpu.memory_space<semaphore_mem>>)
      } else {
      }
      %dma_wait3A_255 = arith.constant 3 : i32
      %dma_wait3A_256 = arith.constant 0 : i32
      %dma_wait3A_257 = arith.constant 0 : i32
      %dma_wait3A_258 = tpu.memref_slice %arg6[%dma_wait3A_255, %dma_wait3A_256, %dma_wait3A_257] : memref<5x128x128xf32, #tpu.memory_space<vmem>> -> memref<1x128x128xf32, #tpu.memory_space<vmem>>
      %dma_wait3A_259 = tpu.memref_squeeze %dma_wait3A_258 : memref<1x128x128xf32, #tpu.memory_space<vmem>> -> memref<128x128xf32, #tpu.memory_space<vmem>>
      %dma_wait3A_260 = arith.constant 0 : i32
      %dma_wait3A_261 = tpu.memref_slice %arg5[%add3A_245, %dma_wait3A_260] : memref<50x128xi32, #tpu.memory_space<vmem>> -> memref<1x128xi32, #tpu.memory_space<vmem>>
      %dma_wait3A_262 = tpu.memref_squeeze %dma_wait3A_261 : memref<1x128xi32, #tpu.memory_space<vmem>> -> memref<128xi32, #tpu.memory_space<vmem>>
      %dma_wait3A_263 = arith.constant 0 : i32
      %dma_wait3A_264 = arith.constant 0 : i32
      %dma_wait3A_265 = tpu.memref_slice %arg2[%dma_wait3A_263, %dma_wait3A_264] : memref<100000x128xf32, #tpu.memory_space<hbm>> -> memref<100000x128xf32, #tpu.memory_space<hbm>>
      tpu.wait_indirect_dma semaphore(%arg10 : memref<!tpu.dma_semaphore, #tpu.memory_space<semaphore_mem>>) src(%dma_wait3A_265 : memref<100000x128xf32, #tpu.memory_space<hbm>>) dst(%dma_wait3A_259 : memref<128x128xf32, #tpu.memory_space<vmem>>)
      %dma_start3A_266 = arith.constant 3 : i32
      %dma_start3A_267 = arith.constant 0 : i32
      %dma_start3A_268 = arith.constant 0 : i32
      %dma_start3A_269 = tpu.memref_slice %arg6[%dma_start3A_266, %dma_start3A_267, %dma_start3A_268] : memref<5x128x128xf32, #tpu.memory_space<vmem>> -> memref<1x128x128xf32, #tpu.memory_space<vmem>>
      %dma_start3A_270 = tpu.memref_squeeze %dma_start3A_269 : memref<1x128x128xf32, #tpu.memory_space<vmem>> -> memref<128x128xf32, #tpu.memory_space<vmem>>
      %dma_start3A_271 = arith.constant 0 : i32
      %dma_start3A_272 = tpu.memref_slice %arg4[%add3A_245, %mul3A_2, %dma_start3A_271] : memref<50x4096x128xf32, #tpu.memory_space<hbm>> -> memref<1x128x128xf32, #tpu.memory_space<hbm>>
      %dma_start3A_273 = tpu.memref_squeeze %dma_start3A_272 : memref<1x128x128xf32, #tpu.memory_space<hbm>> -> memref<128x128xf32, #tpu.memory_space<hbm>>
      %dma_start3A_274 = arith.constant 0 : i32
      %dma_start3A_275 = tpu.memref_slice %arg4[%add3A_245, %mul3A_2, %dma_start3A_274] : memref<50x4096x128xf32, #tpu.memory_space<hbm>> -> memref<1x128x128xf32, #tpu.memory_space<hbm>>
      %dma_start3A_276 = tpu.memref_squeeze %dma_start3A_275 : memref<1x128x128xf32, #tpu.memory_space<hbm>> -> memref<128x128xf32, #tpu.memory_space<hbm>>
      %dma_start3A_277 = arith.constant 0 : i32
      %dma_start3A_278 = arith.constant 0 : i32
      %dma_start3A_279 = tpu.memref_slice %arg6[%dma_start3A_266, %dma_start3A_277, %dma_start3A_278] : memref<5x128x128xf32, #tpu.memory_space<vmem>> -> memref<1x128x128xf32, #tpu.memory_space<vmem>>
      %dma_start3A_280 = tpu.memref_squeeze %dma_start3A_279 : memref<1x128x128xf32, #tpu.memory_space<vmem>> -> memref<128x128xf32, #tpu.memory_space<vmem>>
      tpu.enqueue_dma source(%dma_start3A_280 : memref<128x128xf32, #tpu.memory_space<vmem>>) target(%dma_start3A_276 : memref<128x128xf32, #tpu.memory_space<hbm>>) target_semaphore(%arg15 : memref<!tpu.dma_semaphore, #tpu.memory_space<semaphore_mem>>)
      %add3A_281 = arith.constant 4 : i32
      %add3A_282 = arith.addi %mul3A_136, %add3A_281 : i32
      %add3A_283 = arith.constant 5 : i32
      %add3A_284 = arith.addi %add3A_282, %add3A_283 : i32
      %sub3A_285 = arith.constant 1 : i32
      %sub3A_286 = arith.subi %add3A_284, %sub3A_285 : i32
      %lt3A_287 = arith.constant 50 : i32
      %lt3A_288 = arith.cmpi slt, %sub3A_286, %lt3A_287 : i32
      %convert_element_type3A_289 = arith.extui %lt3A_288 : i1 to i32
      %cond3A_290 = arith.constant 0 : i32
      %cond3A_291 = arith.cmpi ne, %convert_element_type3A_289, %cond3A_290 : i32
      scf.if %cond3A_291 {
        %ge3A = arith.constant 1 : i32
        %ge3A_318 = arith.cmpi sge, %add3A_282, %ge3A : i32
        %convert_element_type3A_319 = arith.extui %ge3A_318 : i1 to i32
        %cond3A_320 = arith.constant 0 : i32
        %cond3A_321 = arith.cmpi ne, %convert_element_type3A_319, %cond3A_320 : i32
        scf.if %cond3A_321 {
          %sub3A_337 = arith.constant 1 : i32
          %sub3A_338 = arith.subi %add3A_282, %sub3A_337 : i32
          %dma_wait3A_339 = arith.constant 3 : i32
          %dma_wait3A_340 = arith.constant 0 : i32
          %dma_wait3A_341 = arith.constant 0 : i32
          %dma_wait3A_342 = tpu.memref_slice %arg6[%dma_wait3A_339, %dma_wait3A_340, %dma_wait3A_341] : memref<5x128x128xf32, #tpu.memory_space<vmem>> -> memref<1x128x128xf32, #tpu.memory_space<vmem>>
          %dma_wait3A_343 = tpu.memref_squeeze %dma_wait3A_342 : memref<1x128x128xf32, #tpu.memory_space<vmem>> -> memref<128x128xf32, #tpu.memory_space<vmem>>
          %dma_wait3A_344 = arith.constant 0 : i32
          %dma_wait3A_345 = tpu.memref_slice %arg4[%sub3A_338, %mul3A_2, %dma_wait3A_344] : memref<50x4096x128xf32, #tpu.memory_space<hbm>> -> memref<1x128x128xf32, #tpu.memory_space<hbm>>
          %dma_wait3A_346 = tpu.memref_squeeze %dma_wait3A_345 : memref<1x128x128xf32, #tpu.memory_space<hbm>> -> memref<128x128xf32, #tpu.memory_space<hbm>>
          %dma_wait3A_347 = arith.constant 0 : i32
          %dma_wait3A_348 = tpu.memref_slice %arg4[%sub3A_338, %mul3A_2, %dma_wait3A_347] : memref<50x4096x128xf32, #tpu.memory_space<hbm>> -> memref<1x128x128xf32, #tpu.memory_space<hbm>>
          %dma_wait3A_349 = tpu.memref_squeeze %dma_wait3A_348 : memref<1x128x128xf32, #tpu.memory_space<hbm>> -> memref<128x128xf32, #tpu.memory_space<hbm>>
          %dma_wait3A_350 = arith.constant 0 : i32
          %dma_wait3A_351 = arith.constant 0 : i32
          %dma_wait3A_352 = tpu.memref_slice %arg6[%dma_wait3A_339, %dma_wait3A_350, %dma_wait3A_351] : memref<5x128x128xf32, #tpu.memory_space<vmem>> -> memref<1x128x128xf32, #tpu.memory_space<vmem>>
          %dma_wait3A_353 = tpu.memref_squeeze %dma_wait3A_352 : memref<1x128x128xf32, #tpu.memory_space<vmem>> -> memref<128x128xf32, #tpu.memory_space<vmem>>
          tpu.wait_dma2 semaphore(%arg15 : memref<!tpu.dma_semaphore, #tpu.memory_space<semaphore_mem>>) src(%dma_wait3A_353 : memref<128x128xf32, #tpu.memory_space<vmem>>) dst(%dma_wait3A_349 : memref<128x128xf32, #tpu.memory_space<hbm>>)
        } else {
        }
        %add3A_322 = arith.constant 5 : i32
        %add3A_323 = arith.addi %add3A_282, %add3A_322 : i32
        %sub3A_324 = arith.constant 1 : i32
        %sub3A_325 = arith.subi %add3A_323, %sub3A_324 : i32
        %dma_start3A_326 = arith.constant 3 : i32
        %dma_start3A_327 = arith.constant 0 : i32
        %dma_start3A_328 = arith.constant 0 : i32
        %dma_start3A_329 = tpu.memref_slice %arg6[%dma_start3A_326, %dma_start3A_327, %dma_start3A_328] : memref<5x128x128xf32, #tpu.memory_space<vmem>> -> memref<1x128x128xf32, #tpu.memory_space<vmem>>
        %dma_start3A_330 = tpu.memref_squeeze %dma_start3A_329 : memref<1x128x128xf32, #tpu.memory_space<vmem>> -> memref<128x128xf32, #tpu.memory_space<vmem>>
        %dma_start3A_331 = arith.constant 0 : i32
        %dma_start3A_332 = tpu.memref_slice %arg5[%sub3A_325, %dma_start3A_331] : memref<50x128xi32, #tpu.memory_space<vmem>> -> memref<1x128xi32, #tpu.memory_space<vmem>>
        %dma_start3A_333 = tpu.memref_squeeze %dma_start3A_332 : memref<1x128xi32, #tpu.memory_space<vmem>> -> memref<128xi32, #tpu.memory_space<vmem>>
        %dma_start3A_334 = arith.constant 0 : i32
        %dma_start3A_335 = arith.constant 0 : i32
        %dma_start3A_336 = tpu.memref_slice %arg2[%dma_start3A_334, %dma_start3A_335] : memref<100000x128xf32, #tpu.memory_space<hbm>> -> memref<100000x128xf32, #tpu.memory_space<hbm>>
        tpu.enqueue_indirect_dma source(%dma_start3A_336 : memref<100000x128xf32, #tpu.memory_space<hbm>>) target(%dma_start3A_330 : memref<128x128xf32, #tpu.memory_space<vmem>>) offsets(%dma_start3A_333 : memref<128xi32, #tpu.memory_space<vmem>>) semaphore(%arg10 : memref<!tpu.dma_semaphore, #tpu.memory_space<semaphore_mem>>)
      } else {
      }
      %dma_wait3A_292 = arith.constant 4 : i32
      %dma_wait3A_293 = arith.constant 0 : i32
      %dma_wait3A_294 = arith.constant 0 : i32
      %dma_wait3A_295 = tpu.memref_slice %arg6[%dma_wait3A_292, %dma_wait3A_293, %dma_wait3A_294] : memref<5x128x128xf32, #tpu.memory_space<vmem>> -> memref<1x128x128xf32, #tpu.memory_space<vmem>>
      %dma_wait3A_296 = tpu.memref_squeeze %dma_wait3A_295 : memref<1x128x128xf32, #tpu.memory_space<vmem>> -> memref<128x128xf32, #tpu.memory_space<vmem>>
      %dma_wait3A_297 = arith.constant 0 : i32
      %dma_wait3A_298 = tpu.memref_slice %arg5[%add3A_282, %dma_wait3A_297] : memref<50x128xi32, #tpu.memory_space<vmem>> -> memref<1x128xi32, #tpu.memory_space<vmem>>
      %dma_wait3A_299 = tpu.memref_squeeze %dma_wait3A_298 : memref<1x128xi32, #tpu.memory_space<vmem>> -> memref<128xi32, #tpu.memory_space<vmem>>
      %dma_wait3A_300 = arith.constant 0 : i32
      %dma_wait3A_301 = arith.constant 0 : i32
      %dma_wait3A_302 = tpu.memref_slice %arg2[%dma_wait3A_300, %dma_wait3A_301] : memref<100000x128xf32, #tpu.memory_space<hbm>> -> memref<100000x128xf32, #tpu.memory_space<hbm>>
      tpu.wait_indirect_dma semaphore(%arg11 : memref<!tpu.dma_semaphore, #tpu.memory_space<semaphore_mem>>) src(%dma_wait3A_302 : memref<100000x128xf32, #tpu.memory_space<hbm>>) dst(%dma_wait3A_296 : memref<128x128xf32, #tpu.memory_space<vmem>>)
      %dma_start3A_303 = arith.constant 4 : i32
      %dma_start3A_304 = arith.constant 0 : i32
      %dma_start3A_305 = arith.constant 0 : i32
      %dma_start3A_306 = tpu.memref_slice %arg6[%dma_start3A_303, %dma_start3A_304, %dma_start3A_305] : memref<5x128x128xf32, #tpu.memory_space<vmem>> -> memref<1x128x128xf32, #tpu.memory_space<vmem>>
      %dma_start3A_307 = tpu.memref_squeeze %dma_start3A_306 : memref<1x128x128xf32, #tpu.memory_space<vmem>> -> memref<128x128xf32, #tpu.memory_space<vmem>>
      %dma_start3A_308 = arith.constant 0 : i32
      %dma_start3A_309 = tpu.memref_slice %arg4[%add3A_282, %mul3A_2, %dma_start3A_308] : memref<50x4096x128xf32, #tpu.memory_space<hbm>> -> memref<1x128x128xf32, #tpu.memory_space<hbm>>
      %dma_start3A_310 = tpu.memref_squeeze %dma_start3A_309 : memref<1x128x128xf32, #tpu.memory_space<hbm>> -> memref<128x128xf32, #tpu.memory_space<hbm>>
      %dma_start3A_311 = arith.constant 0 : i32
      %dma_start3A_312 = tpu.memref_slice %arg4[%add3A_282, %mul3A_2, %dma_start3A_311] : memref<50x4096x128xf32, #tpu.memory_space<hbm>> -> memref<1x128x128xf32, #tpu.memory_space<hbm>>
      %dma_start3A_313 = tpu.memref_squeeze %dma_start3A_312 : memref<1x128x128xf32, #tpu.memory_space<hbm>> -> memref<128x128xf32, #tpu.memory_space<hbm>>
      %dma_start3A_314 = arith.constant 0 : i32
      %dma_start3A_315 = arith.constant 0 : i32
      %dma_start3A_316 = tpu.memref_slice %arg6[%dma_start3A_303, %dma_start3A_314, %dma_start3A_315] : memref<5x128x128xf32, #tpu.memory_space<vmem>> -> memref<1x128x128xf32, #tpu.memory_space<vmem>>
      %dma_start3A_317 = tpu.memref_squeeze %dma_start3A_316 : memref<1x128x128xf32, #tpu.memory_space<vmem>> -> memref<128x128xf32, #tpu.memory_space<vmem>>
      tpu.enqueue_dma source(%dma_start3A_317 : memref<128x128xf32, #tpu.memory_space<vmem>>) target(%dma_start3A_313 : memref<128x128xf32, #tpu.memory_space<hbm>>) target_semaphore(%arg16 : memref<!tpu.dma_semaphore, #tpu.memory_space<semaphore_mem>>)
    }
    %scan3A_54 = arith.constant 10 : i32
    %dma_wait3A = arith.constant 0 : i32
    %dma_wait3A_55 = arith.constant 45 : i32
    %dma_wait3A_56 = arith.constant 0 : i32
    %dma_wait3A_57 = arith.constant 0 : i32
    %dma_wait3A_58 = tpu.memref_slice %arg6[%dma_wait3A, %dma_wait3A_56, %dma_wait3A_57] : memref<5x128x128xf32, #tpu.memory_space<vmem>> -> memref<1x128x128xf32, #tpu.memory_space<vmem>>
    %dma_wait3A_59 = tpu.memref_squeeze %dma_wait3A_58 : memref<1x128x128xf32, #tpu.memory_space<vmem>> -> memref<128x128xf32, #tpu.memory_space<vmem>>
    %dma_wait3A_60 = arith.constant 0 : i32
    %dma_wait3A_61 = tpu.memref_slice %arg4[%dma_wait3A_55, %mul3A_2, %dma_wait3A_60] : memref<50x4096x128xf32, #tpu.memory_space<hbm>> -> memref<1x128x128xf32, #tpu.memory_space<hbm>>
    %dma_wait3A_62 = tpu.memref_squeeze %dma_wait3A_61 : memref<1x128x128xf32, #tpu.memory_space<hbm>> -> memref<128x128xf32, #tpu.memory_space<hbm>>
    %dma_wait3A_63 = arith.constant 0 : i32
    %dma_wait3A_64 = tpu.memref_slice %arg4[%dma_wait3A_55, %mul3A_2, %dma_wait3A_63] : memref<50x4096x128xf32, #tpu.memory_space<hbm>> -> memref<1x128x128xf32, #tpu.memory_space<hbm>>
    %dma_wait3A_65 = tpu.memref_squeeze %dma_wait3A_64 : memref<1x128x128xf32, #tpu.memory_space<hbm>> -> memref<128x128xf32, #tpu.memory_space<hbm>>
    %dma_wait3A_66 = arith.constant 0 : i32
    %dma_wait3A_67 = arith.constant 0 : i32
    %dma_wait3A_68 = tpu.memref_slice %arg6[%dma_wait3A, %dma_wait3A_66, %dma_wait3A_67] : memref<5x128x128xf32, #tpu.memory_space<vmem>> -> memref<1x128x128xf32, #tpu.memory_space<vmem>>
    %dma_wait3A_69 = tpu.memref_squeeze %dma_wait3A_68 : memref<1x128x128xf32, #tpu.memory_space<vmem>> -> memref<128x128xf32, #tpu.memory_space<vmem>>
    tpu.wait_dma2 semaphore(%arg12 : memref<!tpu.dma_semaphore, #tpu.memory_space<semaphore_mem>>) src(%dma_wait3A_69 : memref<128x128xf32, #tpu.memory_space<vmem>>) dst(%dma_wait3A_65 : memref<128x128xf32, #tpu.memory_space<hbm>>)
    %dma_wait3A_70 = arith.constant 1 : i32
    %dma_wait3A_71 = arith.constant 46 : i32
    %dma_wait3A_72 = arith.constant 0 : i32
    %dma_wait3A_73 = arith.constant 0 : i32
    %dma_wait3A_74 = tpu.memref_slice %arg6[%dma_wait3A_70, %dma_wait3A_72, %dma_wait3A_73] : memref<5x128x128xf32, #tpu.memory_space<vmem>> -> memref<1x128x128xf32, #tpu.memory_space<vmem>>
    %dma_wait3A_75 = tpu.memref_squeeze %dma_wait3A_74 : memref<1x128x128xf32, #tpu.memory_space<vmem>> -> memref<128x128xf32, #tpu.memory_space<vmem>>
    %dma_wait3A_76 = arith.constant 0 : i32
    %dma_wait3A_77 = tpu.memref_slice %arg4[%dma_wait3A_71, %mul3A_2, %dma_wait3A_76] : memref<50x4096x128xf32, #tpu.memory_space<hbm>> -> memref<1x128x128xf32, #tpu.memory_space<hbm>>
    %dma_wait3A_78 = tpu.memref_squeeze %dma_wait3A_77 : memref<1x128x128xf32, #tpu.memory_space<hbm>> -> memref<128x128xf32, #tpu.memory_space<hbm>>
    %dma_wait3A_79 = arith.constant 0 : i32
    %dma_wait3A_80 = tpu.memref_slice %arg4[%dma_wait3A_71, %mul3A_2, %dma_wait3A_79] : memref<50x4096x128xf32, #tpu.memory_space<hbm>> -> memref<1x128x128xf32, #tpu.memory_space<hbm>>
    %dma_wait3A_81 = tpu.memref_squeeze %dma_wait3A_80 : memref<1x128x128xf32, #tpu.memory_space<hbm>> -> memref<128x128xf32, #tpu.memory_space<hbm>>
    %dma_wait3A_82 = arith.constant 0 : i32
    %dma_wait3A_83 = arith.constant 0 : i32
    %dma_wait3A_84 = tpu.memref_slice %arg6[%dma_wait3A_70, %dma_wait3A_82, %dma_wait3A_83] : memref<5x128x128xf32, #tpu.memory_space<vmem>> -> memref<1x128x128xf32, #tpu.memory_space<vmem>>
    %dma_wait3A_85 = tpu.memref_squeeze %dma_wait3A_84 : memref<1x128x128xf32, #tpu.memory_space<vmem>> -> memref<128x128xf32, #tpu.memory_space<vmem>>
    tpu.wait_dma2 semaphore(%arg13 : memref<!tpu.dma_semaphore, #tpu.memory_space<semaphore_mem>>) src(%dma_wait3A_85 : memref<128x128xf32, #tpu.memory_space<vmem>>) dst(%dma_wait3A_81 : memref<128x128xf32, #tpu.memory_space<hbm>>)
    %dma_wait3A_86 = arith.constant 2 : i32
    %dma_wait3A_87 = arith.constant 47 : i32
    %dma_wait3A_88 = arith.constant 0 : i32
    %dma_wait3A_89 = arith.constant 0 : i32
    %dma_wait3A_90 = tpu.memref_slice %arg6[%dma_wait3A_86, %dma_wait3A_88, %dma_wait3A_89] : memref<5x128x128xf32, #tpu.memory_space<vmem>> -> memref<1x128x128xf32, #tpu.memory_space<vmem>>
    %dma_wait3A_91 = tpu.memref_squeeze %dma_wait3A_90 : memref<1x128x128xf32, #tpu.memory_space<vmem>> -> memref<128x128xf32, #tpu.memory_space<vmem>>
    %dma_wait3A_92 = arith.constant 0 : i32
    %dma_wait3A_93 = tpu.memref_slice %arg4[%dma_wait3A_87, %mul3A_2, %dma_wait3A_92] : memref<50x4096x128xf32, #tpu.memory_space<hbm>> -> memref<1x128x128xf32, #tpu.memory_space<hbm>>
    %dma_wait3A_94 = tpu.memref_squeeze %dma_wait3A_93 : memref<1x128x128xf32, #tpu.memory_space<hbm>> -> memref<128x128xf32, #tpu.memory_space<hbm>>
    %dma_wait3A_95 = arith.constant 0 : i32
    %dma_wait3A_96 = tpu.memref_slice %arg4[%dma_wait3A_87, %mul3A_2, %dma_wait3A_95] : memref<50x4096x128xf32, #tpu.memory_space<hbm>> -> memref<1x128x128xf32, #tpu.memory_space<hbm>>
    %dma_wait3A_97 = tpu.memref_squeeze %dma_wait3A_96 : memref<1x128x128xf32, #tpu.memory_space<hbm>> -> memref<128x128xf32, #tpu.memory_space<hbm>>
    %dma_wait3A_98 = arith.constant 0 : i32
    %dma_wait3A_99 = arith.constant 0 : i32
    %dma_wait3A_100 = tpu.memref_slice %arg6[%dma_wait3A_86, %dma_wait3A_98, %dma_wait3A_99] : memref<5x128x128xf32, #tpu.memory_space<vmem>> -> memref<1x128x128xf32, #tpu.memory_space<vmem>>
    %dma_wait3A_101 = tpu.memref_squeeze %dma_wait3A_100 : memref<1x128x128xf32, #tpu.memory_space<vmem>> -> memref<128x128xf32, #tpu.memory_space<vmem>>
    tpu.wait_dma2 semaphore(%arg14 : memref<!tpu.dma_semaphore, #tpu.memory_space<semaphore_mem>>) src(%dma_wait3A_101 : memref<128x128xf32, #tpu.memory_space<vmem>>) dst(%dma_wait3A_97 : memref<128x128xf32, #tpu.memory_space<hbm>>)
    %dma_wait3A_102 = arith.constant 3 : i32
    %dma_wait3A_103 = arith.constant 48 : i32
    %dma_wait3A_104 = arith.constant 0 : i32
    %dma_wait3A_105 = arith.constant 0 : i32
    %dma_wait3A_106 = tpu.memref_slice %arg6[%dma_wait3A_102, %dma_wait3A_104, %dma_wait3A_105] : memref<5x128x128xf32, #tpu.memory_space<vmem>> -> memref<1x128x128xf32, #tpu.memory_space<vmem>>
    %dma_wait3A_107 = tpu.memref_squeeze %dma_wait3A_106 : memref<1x128x128xf32, #tpu.memory_space<vmem>> -> memref<128x128xf32, #tpu.memory_space<vmem>>
    %dma_wait3A_108 = arith.constant 0 : i32
    %dma_wait3A_109 = tpu.memref_slice %arg4[%dma_wait3A_103, %mul3A_2, %dma_wait3A_108] : memref<50x4096x128xf32, #tpu.memory_space<hbm>> -> memref<1x128x128xf32, #tpu.memory_space<hbm>>
    %dma_wait3A_110 = tpu.memref_squeeze %dma_wait3A_109 : memref<1x128x128xf32, #tpu.memory_space<hbm>> -> memref<128x128xf32, #tpu.memory_space<hbm>>
    %dma_wait3A_111 = arith.constant 0 : i32
    %dma_wait3A_112 = tpu.memref_slice %arg4[%dma_wait3A_103, %mul3A_2, %dma_wait3A_111] : memref<50x4096x128xf32, #tpu.memory_space<hbm>> -> memref<1x128x128xf32, #tpu.memory_space<hbm>>
    %dma_wait3A_113 = tpu.memref_squeeze %dma_wait3A_112 : memref<1x128x128xf32, #tpu.memory_space<hbm>> -> memref<128x128xf32, #tpu.memory_space<hbm>>
    %dma_wait3A_114 = arith.constant 0 : i32
    %dma_wait3A_115 = arith.constant 0 : i32
    %dma_wait3A_116 = tpu.memref_slice %arg6[%dma_wait3A_102, %dma_wait3A_114, %dma_wait3A_115] : memref<5x128x128xf32, #tpu.memory_space<vmem>> -> memref<1x128x128xf32, #tpu.memory_space<vmem>>
    %dma_wait3A_117 = tpu.memref_squeeze %dma_wait3A_116 : memref<1x128x128xf32, #tpu.memory_space<vmem>> -> memref<128x128xf32, #tpu.memory_space<vmem>>
    tpu.wait_dma2 semaphore(%arg15 : memref<!tpu.dma_semaphore, #tpu.memory_space<semaphore_mem>>) src(%dma_wait3A_117 : memref<128x128xf32, #tpu.memory_space<vmem>>) dst(%dma_wait3A_113 : memref<128x128xf32, #tpu.memory_space<hbm>>)
    %dma_wait3A_118 = arith.constant 4 : i32
    %dma_wait3A_119 = arith.constant 49 : i32
    %dma_wait3A_120 = arith.constant 0 : i32
    %dma_wait3A_121 = arith.constant 0 : i32
    %dma_wait3A_122 = tpu.memref_slice %arg6[%dma_wait3A_118, %dma_wait3A_120, %dma_wait3A_121] : memref<5x128x128xf32, #tpu.memory_space<vmem>> -> memref<1x128x128xf32, #tpu.memory_space<vmem>>
    %dma_wait3A_123 = tpu.memref_squeeze %dma_wait3A_122 : memref<1x128x128xf32, #tpu.memory_space<vmem>> -> memref<128x128xf32, #tpu.memory_space<vmem>>
    %dma_wait3A_124 = arith.constant 0 : i32
    %dma_wait3A_125 = tpu.memref_slice %arg4[%dma_wait3A_119, %mul3A_2, %dma_wait3A_124] : memref<50x4096x128xf32, #tpu.memory_space<hbm>> -> memref<1x128x128xf32, #tpu.memory_space<hbm>>
    %dma_wait3A_126 = tpu.memref_squeeze %dma_wait3A_125 : memref<1x128x128xf32, #tpu.memory_space<hbm>> -> memref<128x128xf32, #tpu.memory_space<hbm>>
    %dma_wait3A_127 = arith.constant 0 : i32
    %dma_wait3A_128 = tpu.memref_slice %arg4[%dma_wait3A_119, %mul3A_2, %dma_wait3A_127] : memref<50x4096x128xf32, #tpu.memory_space<hbm>> -> memref<1x128x128xf32, #tpu.memory_space<hbm>>
    %dma_wait3A_129 = tpu.memref_squeeze %dma_wait3A_128 : memref<1x128x128xf32, #tpu.memory_space<hbm>> -> memref<128x128xf32, #tpu.memory_space<hbm>>
    %dma_wait3A_130 = arith.constant 0 : i32
    %dma_wait3A_131 = arith.constant 0 : i32
    %dma_wait3A_132 = tpu.memref_slice %arg6[%dma_wait3A_118, %dma_wait3A_130, %dma_wait3A_131] : memref<5x128x128xf32, #tpu.memory_space<vmem>> -> memref<1x128x128xf32, #tpu.memory_space<vmem>>
    %dma_wait3A_133 = tpu.memref_squeeze %dma_wait3A_132 : memref<1x128x128xf32, #tpu.memory_space<vmem>> -> memref<128x128xf32, #tpu.memory_space<vmem>>
    tpu.wait_dma2 semaphore(%arg16 : memref<!tpu.dma_semaphore, #tpu.memory_space<semaphore_mem>>) src(%dma_wait3A_133 : memref<128x128xf32, #tpu.memory_space<vmem>>) dst(%dma_wait3A_129 : memref<128x128xf32, #tpu.memory_space<hbm>>)
    return
  }
}

</mosaic_0001>

<sc_bundles>
// kernel: kernel.3.cloned.1.call-start
scs
__scs_entry_jumppad:
0x0: {  	(pc) =	sbr.rel $0x88, $3  }
0x1: {  	(tag) =	ssettag $0x0;
	lr =	simm.s32 $0x1  }
0x2: {  	[smem:$0x3F9F] =	sst lr;
	_ =	strace $0xD0000000  }
0x3: {  	_ = 	snop  }
0x4: {  	_ = 	snop  }
0x5: {  	_ = 	snop  }
0x6: {  	_ = 	snop  }
0x7: {  	_ = 	snop  }
__scs_overlays_trampoline_lowered:
0x8: {  	[smem:$0x3FAE] =	sst s0  }
0x9: {  	[smem:$0x3FAF] =	sst s1  }
0xa: {  	[smem:$0x3FB0] =	sst s2  }
0xb: {  	[smem:$0x3FB1] =	sst s3  }
0xc: {  	[smem:$0x3FB2] =	sst s4  }
0xd: {  	[smem:$0x3FB3] =	sst s5  }
0xe: {  	[smem:$0x3FB4] =	sst s6  }
0xf: {  	[smem:$0x3FB5] =	sst s7  }
0x10: {  	[smem:$0x3FB6] =	sst s8  }
0x11: {  	[smem:$0x3FB7] =	sst s9;
	s0 =	simm.s32 @!p0 $0x0  }
0x12: {  	s1 =	sld [smem:$0x3F9D];
	s0 =	simm.s32 @p0 $0x1  }
0x13: {  	[smem:$0x3FB8] =	sst s0;
	s0 =	simm.s32 @!p1 $0x0  }
0x14: {  	s2 =	sld [smem:$0x3F9C];
	s0 =	simm.s32 @p1 $0x1  }
0x15: {  	[smem:$0x3FB9] =	sst s0;
	s0 =	simm.s32 @!p2 $0x0  }
0x16: {  	s3 =	sld [smem:$0x3FDB];
	s0 =	simm.s32 @p2 $0x1  }
0x17: {  	s4 =	simm.s32 $0x1BF5;
	[smem:$0x3FBB] =	sst s0  }
0x18: {  	s0 =	sld [smem:$0x3F9E];
	_ =	swait.ge [sflag:s4], $0x0  }
0x19: {  	s7 =	sld [smem:$0x3F9F]  }
0x1a: {  	s8 =	sadd.s32 $0xFFFFE003, lr  }
0x1b: {  	s9 =	sadd.s32 $0xFFFFFEF7, lr;
	s5 =	simm.s32 $0xFFFFFFFF;
	p2 =	slt.u32 s8, $0xFFFFF086  }
0x1c: {  	p1 =	slt.u32 s9, $0xF7A;
	s5 =	simm.s32 @!p2 $0x0  }
0x1d: {  	s5 =	simm.s32 @p1 $0x1;
	p0 =	seq.s32 s7, s2  }
0x1e: {  	s7 =	smul.u32 @!p0 $0xF7A, s2;
	p2 =	seq.s32 @!p0 s5, $0x0  }
0x1f: {  	s9 =	smul.u32 $0xF7A, s1;
	s8 =	simm.s32 @!p0 $0x1BF5;
	p2 =	por !p2, p0  }
0x20: {  	[sflag:s8] =	ssyncset.s32 @!p0 $0xFFFFF086;
	s6 =	sadd.s32 @!p0 s3, s7;
	s7 =	simm.s32 @!p0 $0x108  }
0x21: {  	s3 =	sadd.s32 s3, s9;
	s6 =	sadd.s32 @!p0 $0x88, s6;
	s7 =	simm.s32 @p2 $0x1082  }
0x22: {  	[simem:s7], [sflag:s8] =	dma.local @!p0 [hbm:s6], $0xF7A  }
0x23: {  	s9 =	sor.u32 $0xD0000000, s2;
	s6 =	simm.s32 $0x108;
	_ =	swait.ge @!p0 [sflag:s8], $0x0  }
0x24: {  	s3 =	sadd.s32 $0x88, s3;
	s6 =	simm.s32 @!p1 $0x1082;
	[sflag:s4] =	ssyncset.s32 $0xFFFFF086  }
0x25: {  	[simem:s6], [sflag:s4] =	dma.local [hbm:s3], $0xF7A  }
0x26: {  	[smem:$0x3F9F] =	sst s1;
	(tag) =	ssettag s2;
	_ =	strace s9  }
0x27: {  	s1 =	sld [smem:$0x3FAF]  }
0x28: {  	s2 =	sld [smem:$0x3FB0]  }
0x29: {  	s4 =	sld [smem:$0x3FB2]  }
0x2a: {  	p0 =	seq.s32 s5, $0x0;
	s5 =	sld [smem:$0x3FB3]  }
0x2b: {  	s6 =	sld [smem:$0x3FB4]  }
0x2c: {  	s7 =	sld [smem:$0x3FB5]  }
0x2d: {  	s3 =	simm.s32 $0x108;
	s8 =	sld [smem:$0x3FB6]  }
0x2e: {  	s3 =	simm.s32 @!p0 $0x1082;
	s9 =	sld [smem:$0x3FB7]  }
0x2f: {  	lr =	sadd.s32 s0, s3;
	s0 =	sld [smem:$0x3FAE]  }
0x30: {  	s3 =	sld [smem:$0x3FB1]  }
0x31: {  	[smem:$0x3FBA] =	sst s10  }
0x32: {  	s10 =	sld [smem:$0x3FB8];
	_ =	sdelay $0x3  }
0x33: {  	p0 =	seq.s32 s10, $0x1;
	s10 =	sld [smem:$0x3FBA];
	_ =	sdelay $0x3  }
0x34: {  	[smem:$0x3FBA] =	sst s10  }
0x35: {  	s10 =	sld [smem:$0x3FB9];
	_ =	sdelay $0x3  }
0x36: {  	p1 =	seq.s32 s10, $0x1;
	s10 =	sld [smem:$0x3FBA];
	_ =	sdelay $0x3  }
0x37: {  	[smem:$0x3FBA] =	sst s10  }
0x38: {  	s10 =	sld [smem:$0x3FBB]  }
0x39: {  	_ = 	snop;
	(pc) =	sbr.ind lr, $3  }
0x3a: {  	_ = 	snop  }
0x3b: {  	_ = 	snop  }
0x3c: {  	p2 =	seq.s32 s10, $0x1;
	s10 =	sld [smem:$0x3FBA]  }
0x3d: {  	_ =	shalt  }
0x3e: {  	_ =	shalt  }
0x3f: {  	_ =	shalt  }
0x40: {  	_ =	shalt  }
0x41: {  	_ =	shalt  }
0x42: {  	_ =	shalt  }
0x43: {  	_ =	shalt  }
0x44: {  	_ =	shalt  }
0x45: {  	_ =	shalt  }
0x46: {  	_ =	shalt  }
0x47: {  	_ =	shalt  }
0x48: {  	_ =	shalt  }
0x49: {  	_ =	shalt  }
0x4a: {  	_ =	shalt  }
0x4b: {  	_ =	shalt  }
0x4c: {  	_ =	shalt  }
0x4d: {  	_ =	shalt  }
0x4e: {  	_ =	shalt  }
0x4f: {  	_ =	shalt  }
0x50: {  	_ =	shalt  }
0x51: {  	_ =	shalt  }
0x52: {  	_ =	shalt  }
0x53: {  	_ =	shalt  }
0x54: {  	_ =	shalt  }
0x55: {  	_ =	shalt  }
0x56: {  	_ =	shalt  }
0x57: {  	_ =	shalt  }
0x58: {  	_ =	shalt  }
0x59: {  	_ =	shalt  }
0x5a: {  	_ =	shalt  }
0x5b: {  	_ =	shalt  }
0x5c: {  	_ =	shalt  }
0x5d: {  	_ =	shalt  }
0x5e: {  	_ =	shalt  }
0x5f: {  	_ =	shalt  }
0x60: {  	_ =	shalt  }
0x61: {  	_ =	shalt  }
0x62: {  	_ =	shalt  }
0x63: {  	_ =	shalt  }
0x64: {  	_ =	shalt  }
0x65: {  	_ =	shalt  }
0x66: {  	_ =	shalt  }
0x67: {  	_ =	shalt  }
0x68: {  	_ =	shalt  }
0x69: {  	_ =	shalt  }
0x6a: {  	_ =	shalt  }
0x6b: {  	_ =	shalt  }
0x6c: {  	_ =	shalt  }
0x6d: {  	_ =	shalt  }
0x6e: {  	_ =	shalt  }
0x6f: {  	_ =	shalt  }
0x70: {  	_ =	shalt  }
0x71: {  	_ =	shalt  }
0x72: {  	_ =	shalt  }
0x73: {  	_ =	shalt  }
0x74: {  	_ =	shalt  }
0x75: {  	_ =	shalt  }
0x76: {  	_ =	shalt  }
0x77: {  	_ =	shalt  }
0x78: {  	_ =	shalt  }
0x79: {  	_ =	shalt  }
0x7a: {  	_ =	shalt  }
0x7b: {  	_ =	shalt  }
0x7c: {  	_ =	shalt  }
0x7d: {  	_ =	shalt  }
0x7e: {  	_ =	shalt  }
0x7f: {  	_ =	shalt  }
0x80: {  	_ =	shalt  }
0x81: {  	_ =	shalt  }
0x82: {  	_ =	shalt  }
0x83: {  	_ =	shalt  }
0x84: {  	_ =	shalt  }
0x85: {  	_ =	shalt  }
0x86: {  	_ =	shalt  }
0x87: {  	_ =	shalt  }
.Lfunc_end0:
.L_simem_size_0:
called_computation_lowered:
.L_overlay_start_0:
0x88: {  	s2 =	sld [smem:$0x3FD9]  }
0x89: {  	s3 =	sld [smem:$0x3FFE];
	_ =	sdelay $0x1  }
0x8a: {  	s1 =	srdreg.scid  }
0x8b: {  	s0 =	sand.u32 $0x1, s1  }
0x8c: {  	s18 =	sshll.u32 s0, $0xA;
	s2 =	sadd.s32 s3, s2  }
0x8d: {  	s2 =	sadd.s32 s2, s18  }
0x8e: {  	[smem:$0x3FC6] =	sst s2  }
0x8f: {  	_ = 	snop  }
0x90: {  	s2 =	sld [smem:$0x3FC9]  }
0x91: {  	s19 =	sld [smem:$0x3FC8]  }
0x92: {  	s4 =	sld [smem:$0x3FD0];
	(tm) =	ssettm $0x1  }
0x93: {  	s5 =	sld [smem:$0x3FFB];
	_ =	sdelay $0x3  }
0x94: {  	_ =	strace s5  }
0x95: {  	s5 =	sld [smem:$0x3FFC];
	_ =	sdelay $0x3  }
0x96: {  	_ =	strace s5  }
0x97: {  	s5 =	sld [smem:$0x3FFD];
	_ =	sdelay $0x3  }
0x98: {  	_ =	strace s5  }
0x99: {  	_ =	strace $0x8FFFFFFF  }
0x9a: {  	s20 =	sld [smem:$0x3FDB];
	_ =	sdelay $0x1  }
0x9b: {  	s6 =	simm.s32 $_scs_section_size  }
0x9c: {  	s7 =	simm.s32 $_size__tile_overlayer_lowered;
	s8 =	simm.s32 $_tile_overlayer_lowered  }
0x9d: {  	s23 =	simm.s32 $0x1BFF;
	s22 =	sshll.u32 s8, $0x1;
	s5 =	sadd.s32 s6, s20  }
0x9e: {  	s9 =	simm.s32 $0x0;
	s21 =	sshll.u32 s7, $0x1;
	s7 =	sadd.s32 s22, s5  }
0x9f: {  	[timem:s9], [sflag:s23] =	dma.local [hbm:s7], s21  }
0xa0: {  	_ =	swait.ge [sflag:s23], s21  }
0xa1: {  	s6 =	ssub.s32 $0x0, s21;
	[sflag:s23] =	ssyncset.done $0x0  }
0xa2: {  	[sflag:s23] =	ssyncadd.s32 s6;
	_ =	sdelay $0x1  }
0xa3: {  	s24 =	simm.s32 $0x1B8B  }
0xa4: {  	_ =	swait.ge [sflag:s24], $0x1  }
0xa5: {  	[sflag:s24] =	ssyncset.done $0x0  }
0xa6: {  	s25 =	simm.s32 $0x1B8E;
	[sflag:s24] =	ssyncadd.s32 $0xFFFFFFFF  }
0xa7: {  	s26 =	simm.s32 $execute0_lowered;
	[smem:$0x3FD2] =	sst s25  }
0xa8: {  	s6 =	sshll.u32 s26, $0x1;
	_ =	strace $0x80000046;
	[dreg:$0x1] =	wrdreg $0xFFFFFFFF  }
0xa9: {  	s28 =	simm.s32 $_size_execute0_lowered;
	s5 =	sadd.s32 s5, s6;
	[dreg:$0x0] =	wrdreg $0x0  }
0xaa: {  	s6 =	sshll.u32 s28, $0x1;
	[dreg:$0x2] =	wrdreg s5  }
0xab: {  	[dreg:$0x3] =	wrdreg s6  }
0xac: {  	[dreg:$0x4] =	wrdreg $0xC0  }
0xad: {  	_ =	task [dreg:s9], $0x5FFFF  }
0xae: {  	[dreg:$0x1] =	wrdreg $0xFFFFFFFF  }
0xaf: {  	[dreg:$0x0] =	wrdreg $0x60  }
0xb0: {  	[dreg:$0x2] =	wrdreg s19  }
0xb1: {  	[dreg:$0x3] =	wrdreg s2  }
0xb2: {  	[dreg:$0x4] =	wrdreg s4  }
0xb3: {  	[dreg:$0x5] =	wrdreg $0x9  }
0xb4: {  	_ =	task.clear_ibuf [dreg:s9], $0x6FFFF;
	_ =	strace $0x90000046  }
0xb5: {  	s29 =	simm.s32 $0x9;
	_ =	strace $0x80000048  }
0xb6: {  	_ =	swait.ge [sflag:s29], $0x1  }
0xb7: {  	[sflag:s29] =	ssyncadd.s32 $0xFFFFFFFF  }
0xb8: {  	_ =	strace $0x90000048  }
0xb9: {  	_ =	sfence  }
0xba: {  	s30 =	sld [smem:$0x0];
	_ =	sdelay $0x2  }
0xbb: {  	s31 =	sshll.u32 s1, $0xD;
	s1 =	sshrl.u32 s1, $0x2  }
0xbc: {  	s3 =	sand.u32 $0x4000, s31;
	s1 =	sadd.s32 s1, s30  }
0xbd: {  	s0 =	sor.u32 s3, s0;
	s1 =	sshll.u32 s1, $0x11  }
0xbe: {  	s0 =	sor.u32 s1, s0  }
0xbf: {  	s0 =	sadd.s32 $0x8F2B, s0  }
0xc0: {  	[sflag:s0] =	ssyncadd.remote.s32 $0x1  }
0xc1: {  	_ =	sfence.sel $0xFFFF  }
0xc2: {  	[dreg:$0x0] =	wrdreg $0xFFFFFFFF;
	(pc) =	sbr.abs _section_cstart, $3  }
0xc3: {  	[dreg:$0x1] =	wrdreg $0xFFFFFFFF  }
0xc4: {  	_ =	task.clear_ibuf [dreg:s9], $0x2FFFF;
	_ =	strace $0x9FFFFFFF  }
0xc5: {  	(tm) =	ssettm $0x7FFFFFFF  }
tec
execute0_lowered:
.L_overlay_start_1:
0x0: {  	(tag) =	ssettag $0x1  }
0x1: {  	s1 =	rddreg [dreg:$0x0]  }
0x2: {  	s0 =	rddreg [dreg:$0x1]  }
0x3: {  	s2 =	rddreg [dreg:$0x2];
	s3 =	simm.s32 $0x0;
	s4 =	srdreg.scid  }
0x4: {  	s9 =	stileid.u32;
	s16 =	simm.s32 $0x80;
	s17 =	simm.s32 $0x1C00  }
0x5: {  	s20 =	simm.s32 $0x9C00;
	[smem:$0x7FF] =	sst s3;
	s4 =	sand.u32 $0x1, s4  }
0x6: {  	s6 =	sshll.u32 s9, $0x8;
	s24 =	sshll.u32 s9, $0xF;
	s5 =	ssub.s32 $0x2, s4  }
0x7: {  	s7 =	sshll.u32 s4, $0x7;
	_ =	strace $0x80000047;
	s4 =	sshll.u32 s4, $0xE  }
0x8: {  	s8 =	sshrl.u32 s5, $0x1;
	s6 =	sor.u32 s7, s6;
	s4 =	sor.u32 s4, s24  }
0x9: {  	s24 =	simm.s32 $0x1;
	s5 =	ssub.s32 s5, s8;
	s7 =	sadd.s32 s0, s6  }
0xa: {  	s23 =	sshll.u32 s6, $0x4;
	s26 =	sor.u32 $0x180000, s4;
	s6 =	sor.u32 $0x100000, s4  }
0xb: {  	s30 =	sor.u32 $0x80000, s4;
	s31 =	sor.u32 $0x200000, s4;
	s4 =	sshrl.u32 s4, $0x3  }
0xc: {  	s0 =	sadd.s32 s23, s2;
	[dreg:$0x6] =	wrdreg s7;
	s7 =	sadd.s32 $0x6000, s7  }
0xd: {  	s5 =	smax.u32 s5, $0x1;
	s29 =	sshrl.u32 s6, $0x3;
	s10 =	sadd.s32 s4, s2  }
0xe: {  	s23 =	simm.s32 $0x11C00;
	[dreg:$0x7] =	wrdreg s7;
	s25 =	sadd.s32 $0x2E0000, s0  }
0xf: {  	[dreg:$0x8] =	wrdreg s5;
	s0 =	sadd.s32 $0x300000, s0;
	s5 =	sshrl.u32 s26, $0x3  }
0x10: {  	s8 =	sadd.s32 s29, s2;
	s26 =	simm.s32 $0x5;
	[dreg:$0x4] =	wrdreg s25  }
0x11: {  	[dreg:$0x5] =	wrdreg s0;
	s28 =	sadd.s32 s5, s2;
	s0 =	sshrl.u32 s30, $0x3  }
0x12: {  	s5 =	sshrl.u32 s31, $0x3;
	s25 =	simm.s32 $0x3;
	[dreg:$0x9] =	wrdreg s28  }
0x13: {  	s9 =	sadd.s32 s0, s2;
	s5 =	sadd.s32 s5, s2;
	s2 =	simm.s32 $0x0  }
.LBB2_1:
0x14: {  	s0 =	rddreg [dreg:$0x6];
	s4 =	simm.s32 $0x400;
	s6 =	simm.s32 $0x8000  }
0x15: {  	[tilespmem:s3], [sflag:$0xB] =	stream.strided.gather [hbm4b:s0+s4], $0x1800, s6, s4, $0x38;
	[tilespmem:$0x15C00] =	vst v63  }
0x16: {  	s18 =	rddreg [dreg:$0x7];
	s19 =	simm.s32 $0x1800;
	s21 =	simm.s32 $0xB  }
0x17: {  	[tilespmem:s19], [sflag:$0xB] =	stream.linear.gather [hbm4b:s18+s3], $0x100, $0x38;
	[tilespmem:$0x15C00] =	vst v63  }
0x18: {  	_ =	swait.ge [sflag:s21], $0x1900  }
0x19: {  	[sflag:s21] =	ssyncset.done $0x0  }
0x1a: {  	[sflag:s21] =	ssyncadd.s32 $0xFFFFE700  }
0x1b: {  	[tilespmem:s17], [sflag:$0x1] =	stream.indirect.gather [hbm4b:s1+s16], $0x80, s3, s16, $0xb8;
	[tilespmem:$0x15C00] =	vst v63  }
0x1c: {  	s22 =	simm.s32 $0x5C00  }
0x1d: {  	[tilespmem:s22], [sflag:$0x2] =	stream.indirect.gather [hbm4b:s1+s16], $0x80, s16, s16, $0xb8;
	[tilespmem:$0x15C00] =	vst v63  }
0x1e: {  	s28 =	simm.s32 $0x100;
	p0 =	por $0x1, $0x1  }
0x1f: {  	[tilespmem:s20], [sflag:$0x3] =	stream.indirect.gather [hbm4b:s1+s16], $0x80, s28, s16, $0xb8;
	[tilespmem:$0x15C00] =	vst v63  }
0x20: {  	s29 =	simm.s32 $0x180;
	s30 =	simm.s32 $0xDC00;
	s4 =	simm.s32 @!p0 $0xA  }
0x21: {  	[tilespmem:s30], [sflag:$0x4] =	stream.indirect.gather [hbm4b:s1+s16], $0x80, s29, s16, $0xb8;
	[tilespmem:$0x15C00] =	vst v63  }
0x22: {  	_ =	swait.ge @!p0 [sflag:s4], $0x4000  }
0x23: {  	[sflag:s4] =	ssyncset.done @!p0 $0x0  }
0x24: {  	s31 =	simm.s32 $0x200;
	[sflag:s4] =	ssyncadd.s32 @!p0 $0xFFFFC000  }
0x25: {  	[tilespmem:s23], [sflag:$0x5] =	stream.indirect.gather [hbm4b:s1+s16], $0x80, s31, s16, $0xb8;
	[tilespmem:$0x15C00] =	vst v63  }
0x26: {  	_ =	swait.ge [sflag:s24], $0x4000  }
0x27: {  	p0 =	por $0x0, $0x0;
	[sflag:s24] =	ssyncset.done $0x0  }
0x28: {  	s4 =	simm.s32 @p0 $0x2;
	[sflag:s24] =	ssyncadd.s32 $0xFFFFC000  }
0x29: {  	[hbm4b:s10+s3] =	stream.linear.scatter [tilespmem:s17], [sflag:$0x6], $0x4000, $0x38;
	[tilespmem:$0x15C00] =	vst v63  }
0x2a: {  	_ =	swait.ge @p0 [sflag:s4], $0x4000  }
0x2b: {  	s11 =	simm.s32 @p0 $0x5C00;
	s12 =	simm.s32 @!p0 $0x6;
	[sflag:s4] =	ssyncset.done @p0 $0x0  }
0x2c: {  	s6 =	rddreg [dreg:$0x4];
	[sflag:s4] =	ssyncadd.s32 @p0 $0xFFFFC000;
	s4 =	simm.s32 @p0 $0x0  }
0x2d: {  	[hbm4b:s6+s4] =	stream.linear.scatter @p0 [tilespmem:s11], [sflag:$0x7], $0x4000, $0x38;
	[tilespmem:$0x15C00] =	vst v63  }
0x2e: {  	_ =	swait.ge @!p0 [sflag:s12], $0x4000  }
0x2f: {  	s13 =	simm.s32 @!p0 $0x1C00;
	s6 =	simm.s32 @!p0 $0x280;
	[sflag:s12] =	ssyncset.done @!p0 $0x0  }
0x30: {  	s11 =	simm.s32 @!p0 $0x80;
	[sflag:s12] =	ssyncadd.s32 @!p0 $0xFFFFC000;
	s12 =	simm.s32 @!p0 $0x2  }
0x31: {  	[tilespmem:s13], [sflag:$0x1] =	stream.indirect.gather @!p0 [hbm4b:s1+s11], $0x80, s6, s11, $0xb8;
	[tilespmem:$0x15C00] =	vst v63  }
0x32: {  	_ =	swait.ge @!p0 [sflag:s12], $0x4000  }
0x33: {  	s6 =	simm.s32 @!p0 $0x0;
	[sflag:s12] =	ssyncset.done @!p0 $0x0  }
0x34: {  	s13 =	simm.s32 @!p0 $0x5C00;
	[sflag:s12] =	ssyncadd.s32 @!p0 $0xFFFFC000;
	s12 =	simm.s32 @!p0 $0x7  }
0x35: {  	[hbm4b:s9+s6] =	stream.linear.scatter @!p0 [tilespmem:s13], [sflag:$0x7], $0x4000, $0x38;
	[tilespmem:$0x15C00] =	vst v63  }
0x36: {  	_ =	swait.ge @!p0 [sflag:s12], $0x4000  }
0x37: {  	[sflag:s12] =	ssyncset.done @!p0 $0x0  }
0x38: {  	s14 =	simm.s32 @!p0 $0x300;
	[sflag:s12] =	ssyncadd.s32 @!p0 $0xFFFFC000  }
0x39: {  	[tilespmem:s13], [sflag:$0x2] =	stream.indirect.gather @!p0 [hbm4b:s1+s11], $0x80, s14, s11, $0xb8;
	[tilespmem:$0x15C00] =	vst v63  }
0x3a: {  	_ =	swait.ge [sflag:s25], $0x4000  }
0x3b: {  	[sflag:s25] =	ssyncset.done $0x0  }
0x3c: {  	s12 =	simm.s32 @p0 $0x4;
	[sflag:s25] =	ssyncadd.s32 $0xFFFFC000  }
0x3d: {  	[hbm4b:s8+s3] =	stream.linear.scatter [tilespmem:s20], [sflag:$0x8], $0x4000, $0x38;
	[tilespmem:$0x15C00] =	vst v63  }
0x3e: {  	_ =	swait.ge @p0 [sflag:s12], $0x4000  }
0x3f: {  	s14 =	simm.s32 @!p0 $0x8;
	[sflag:s12] =	ssyncset.done @p0 $0x0  }
0x40: {  	s13 =	rddreg [dreg:$0x5];
	[sflag:s12] =	ssyncadd.s32 @p0 $0xFFFFC000;
	s12 =	simm.s32 @p0 $0xDC00  }
0x41: {  	[hbm4b:s13+s4] =	stream.linear.scatter @p0 [tilespmem:s12], [sflag:$0x9], $0x4000, $0x38;
	[tilespmem:$0x15C00] =	vst v63  }
0x42: {  	_ =	swait.ge @!p0 [sflag:s14], $0x4000  }
0x43: {  	s4 =	simm.s32 @!p0 $0x380;
	[sflag:s14] =	ssyncset.done @!p0 $0x0  }
0x44: {  	s12 =	simm.s32 @!p0 $0x9C00;
	s13 =	simm.s32 @!p0 $0x4;
	[sflag:s14] =	ssyncadd.s32 @!p0 $0xFFFFC000  }
0x45: {  	[tilespmem:s12], [sflag:$0x3] =	stream.indirect.gather @!p0 [hbm4b:s1+s11], $0x80, s4, s11, $0xb8;
	[tilespmem:$0x15C00] =	vst v63  }
0x46: {  	p1 =	por $0x0, $0x0;
	_ =	swait.ge @!p0 [sflag:s13], $0x4000  }
0x47: {  	s19 =	sadd.s32 $0x50000, s10;
	s4 =	simm.s32 @!p0 $0xDC00;
	[sflag:s13] =	ssyncset.done @!p0 $0x0  }
0x48: {  	s12 =	simm.s32 @!p0 $0x9;
	s0 =	rddreg [dreg:$0x9];
	[sflag:s13] =	ssyncadd.s32 @!p0 $0xFFFFC000  }
0x49: {  	[hbm4b:s0+s6] =	stream.linear.scatter @!p0 [tilespmem:s4], [sflag:$0x9], $0x4000, $0x38;
	[tilespmem:$0x15C00] =	vst v63  }
0x4a: {  	s18 =	sadd.s32 $0x50000, s9;
	s21 =	simm.s32 $0xA00;
	_ =	swait.ge @!p0 [sflag:s12], $0x4000  }
0x4b: {  	s22 =	simm.s32 $0x1400;
	s14 =	sadd.s32 $0x50000, s8;
	[sflag:s12] =	ssyncset.done @!p0 $0x0  }
0x4c: {  	s13 =	sadd.s32 $0x50000, s0;
	s6 =	simm.s32 @!p0 $0x400;
	[sflag:s12] =	ssyncadd.s32 @!p0 $0xFFFFC000  }
0x4d: {  	[tilespmem:s4], [sflag:$0x4] =	stream.indirect.gather @!p0 [hbm4b:s1+s11], $0x80, s6, s11, $0xb8;
	[tilespmem:$0x15C00] =	vst v63  }
0x4e: {  	s12 =	sadd.s32 $0x50000, s5;
	s11 =	smov.u32 s5;
	_ =	swait.ge [sflag:s26], $0x4000  }
.LBB2_2:
0x4f: {  	[sflag:s26] =	ssyncset.done $0x0  }
0x50: {  	s4 =	simm.s32 @!p1 $0xA;
	[sflag:s26] =	ssyncadd.s32 $0xFFFFC000  }
0x51: {  	[hbm4b:s11+s3] =	stream.linear.scatter [tilespmem:s23], [sflag:$0xA], $0x4000, $0x38;
	[tilespmem:$0x15C00] =	vst v63  }
0x52: {  	_ =	swait.ge @!p1 [sflag:s4], $0x4000  }
0x53: {  	s6 =	sshra.s32 s21, $0x2;
	[sflag:s4] =	ssyncset.done @!p1 $0x0  }
0x54: {  	s6 =	sadd.s32 $0x200, s6;
	[sflag:s4] =	ssyncadd.s32 @!p1 $0xFFFFC000  }
0x55: {  	[tilespmem:s23], [sflag:$0x5] =	stream.indirect.gather [hbm4b:s1+s16], $0x80, s6, s16, $0xb8;
	[tilespmem:$0x15C00] =	vst v63  }
0x56: {  	_ =	swait.ge [sflag:s24], $0x4000  }
0x57: {  	p1 =	seq.s32 s21, $0x5A00;
	[sflag:s24] =	ssyncset.done $0x0  }
0x58: {  	s4 =	simm.s32 @p1 $0x2;
	[sflag:s24] =	ssyncadd.s32 $0xFFFFC000  }
0x59: {  	[hbm4b:s19+s3] =	stream.linear.scatter [tilespmem:s17], [sflag:$0x6], $0x4000, $0x38;
	[tilespmem:$0x15C00] =	vst v63  }
0x5a: {  	s28 =	smov.u32 s22;
	_ =	swait.ge @p1 [sflag:s4], $0x4000  }
0x5b: {  	s0 =	simm.s32 @p1 $0x0;
	s7 =	simm.s32 @!p1 $0x6;
	[sflag:s4] =	ssyncset.done @p1 $0x0  }
0x5c: {  	s31 =	rddreg [dreg:$0x4];
	[sflag:s4] =	ssyncadd.s32 @p1 $0xFFFFC000;
	s4 =	simm.s32 @p1 $0x5C00  }
0x5d: {  	[hbm4b:s31+s0] =	stream.linear.scatter @p1 [tilespmem:s4], [sflag:$0x7], $0x4000, $0x38;
	[tilespmem:$0x15C00] =	vst v63  }
0x5e: {  	s6 =	sshra.s32 @!p1 s21, $0x2;
	s21 =	smov.u32 s28;
	_ =	swait.ge @!p1 [sflag:s7], $0x4000  }
0x5f: {  	s28 =	simm.s32 @!p1 $0x1C00;
	s29 =	sadd.s32 @!p1 $0x280, s6;
	[sflag:s7] =	ssyncset.done @!p1 $0x0  }
0x60: {  	s4 =	simm.s32 @!p1 $0x80;
	[sflag:s7] =	ssyncadd.s32 @!p1 $0xFFFFC000;
	s7 =	simm.s32 @!p1 $0x2  }
0x61: {  	[tilespmem:s28], [sflag:$0x1] =	stream.indirect.gather @!p1 [hbm4b:s1+s4], $0x80, s29, s4, $0xb8;
	[tilespmem:$0x15C00] =	vst v63  }
0x62: {  	_ =	swait.ge @!p1 [sflag:s7], $0x4000  }
0x63: {  	s28 =	simm.s32 @!p1 $0x0;
	[sflag:s7] =	ssyncset.done @!p1 $0x0  }
0x64: {  	s29 =	simm.s32 @!p1 $0x5C00;
	[sflag:s7] =	ssyncadd.s32 @!p1 $0xFFFFC000;
	s7 =	simm.s32 @!p1 $0x7  }
0x65: {  	[hbm4b:s18+s28] =	stream.linear.scatter @!p1 [tilespmem:s29], [sflag:$0x7], $0x4000, $0x38;
	[tilespmem:$0x15C00] =	vst v63  }
0x66: {  	_ =	swait.ge @!p1 [sflag:s7], $0x4000  }
0x67: {  	[sflag:s7] =	ssyncset.done @!p1 $0x0  }
0x68: {  	s30 =	sadd.s32 @!p1 $0x300, s6;
	[sflag:s7] =	ssyncadd.s32 @!p1 $0xFFFFC000  }
0x69: {  	[tilespmem:s29], [sflag:$0x2] =	stream.indirect.gather @!p1 [hbm4b:s1+s4], $0x80, s30, s4, $0xb8;
	[tilespmem:$0x15C00] =	vst v63  }
0x6a: {  	_ =	swait.ge [sflag:s25], $0x4000  }
0x6b: {  	[sflag:s25] =	ssyncset.done $0x0  }
0x6c: {  	s7 =	simm.s32 @p1 $0x4;
	[sflag:s25] =	ssyncadd.s32 $0xFFFFC000  }
0x6d: {  	[hbm4b:s14+s3] =	stream.linear.scatter [tilespmem:s20], [sflag:$0x8], $0x4000, $0x38;
	[tilespmem:$0x15C00] =	vst v63  }
0x6e: {  	_ =	swait.ge @p1 [sflag:s7], $0x4000  }
0x6f: {  	s30 =	simm.s32 @!p1 $0x8;
	[sflag:s7] =	ssyncset.done @p1 $0x0  }
0x70: {  	s29 =	rddreg [dreg:$0x5];
	[sflag:s7] =	ssyncadd.s32 @p1 $0xFFFFC000;
	s7 =	simm.s32 @p1 $0xDC00  }
0x71: {  	[hbm4b:s29+s0] =	stream.linear.scatter @p1 [tilespmem:s7], [sflag:$0x9], $0x4000, $0x38;
	[tilespmem:$0x15C00] =	vst v63  }
0x72: {  	_ =	swait.ge @!p1 [sflag:s30], $0x4000  }
0x73: {  	s15 =	sadd.s32 @!p1 $0x380, s6;
	[sflag:s30] =	ssyncset.done @!p1 $0x0  }
0x74: {  	s0 =	simm.s32 @!p1 $0x9C00;
	s7 =	simm.s32 @!p1 $0x4;
	[sflag:s30] =	ssyncadd.s32 @!p1 $0xFFFFC000  }
0x75: {  	[tilespmem:s0], [sflag:$0x3] =	stream.indirect.gather @!p1 [hbm4b:s1+s4], $0x80, s15, s4, $0xb8;
	[tilespmem:$0x15C00] =	vst v63  }
0x76: {  	s22 =	sadd.s32 $0xA00, s22;
	_ =	swait.ge @!p1 [sflag:s7], $0x4000  }
0x77: {  	p0 =	sne.s32 s22, $0x6400;
	s11 =	smov.u32 s12;
	[sflag:s7] =	ssyncset.done @!p1 $0x0  }
0x78: {  	s0 =	simm.s32 @!p1 $0xDC00;
	[sflag:s7] =	ssyncadd.s32 @!p1 $0xFFFFC000;
	s7 =	simm.s32 @!p1 $0x9  }
0x79: {  	[hbm4b:s13+s28] =	stream.linear.scatter @!p1 [tilespmem:s0], [sflag:$0x9], $0x4000, $0x38;
	[tilespmem:$0x15C00] =	vst v63  }
.Ltmp0:
0x7a: {  	s12 =	sadd.s32 $0x50000, s12;
	_ =	swait.ge @!p1 [sflag:s7], $0x4000;
	(pc) =	sbr.rel @p0 .LBB2_2-.Ltmp0, $4  }
0x7b: {  	s6 =	sadd.s32 @!p1 $0x400, s6;
	s19 =	sadd.s32 $0x50000, s19;
	[sflag:s7] =	ssyncset.done @!p1 $0x0  }
0x7c: {  	s18 =	sadd.s32 $0x50000, s18;
	s14 =	sadd.s32 $0x50000, s14;
	[sflag:s7] =	ssyncadd.s32 @!p1 $0xFFFFC000  }
0x7d: {  	[tilespmem:s0], [sflag:$0x4] =	stream.indirect.gather @!p1 [hbm4b:s1+s4], $0x80, s6, s4, $0xb8;
	[tilespmem:$0x15C00] =	vst v63  }
0x7e: {  	s13 =	sadd.s32 $0x50000, s13;
	p1 =	seq.s32 s21, $0x0;
	_ =	swait.ge [sflag:s26], $0x4000  }
0x7f: {  	[sflag:s26] =	ssyncset.done $0x0  }
0x80: {  	s0 =	simm.s32 @!p1 $0xA;
	[sflag:s26] =	ssyncadd.s32 $0xFFFFC000  }
0x81: {  	[hbm4b:s11+s3] =	stream.linear.scatter [tilespmem:s23], [sflag:$0xA], $0x4000, $0x38;
	[tilespmem:$0x15C00] =	vst v63  }
0x82: {  	_ =	swait.ge @!p1 [sflag:s0], $0x4000  }
0x83: {  	s4 =	sshra.s32 s21, $0x2;
	[sflag:s0] =	ssyncset.done @!p1 $0x0  }
0x84: {  	s4 =	sadd.s32 $0x200, s4;
	[sflag:s0] =	ssyncadd.s32 @!p1 $0xFFFFC000  }
0x85: {  	[tilespmem:s23], [sflag:$0x5] =	stream.indirect.gather [hbm4b:s1+s16], $0x80, s4, s16, $0xb8;
	[tilespmem:$0x15C00] =	vst v63  }
0x86: {  	_ =	swait.ge [sflag:s24], $0x4000  }
0x87: {  	p0 =	seq.s32 s21, $0x5A00;
	[sflag:s24] =	ssyncset.done $0x0  }
0x88: {  	s0 =	simm.s32 @p0 $0x2;
	[sflag:s24] =	ssyncadd.s32 $0xFFFFC000  }
0x89: {  	[hbm4b:s19+s3] =	stream.linear.scatter [tilespmem:s17], [sflag:$0x6], $0x4000, $0x38;
	[tilespmem:$0x15C00] =	vst v63  }
0x8a: {  	_ =	swait.ge @p0 [sflag:s0], $0x4000  }
0x8b: {  	s6 =	simm.s32 @p0 $0x5C00;
	s7 =	simm.s32 @!p0 $0x6;
	[sflag:s0] =	ssyncset.done @p0 $0x0  }
0x8c: {  	s4 =	rddreg [dreg:$0x4];
	[sflag:s0] =	ssyncadd.s32 @p0 $0xFFFFC000;
	s0 =	simm.s32 @p0 $0x0  }
0x8d: {  	[hbm4b:s4+s0] =	stream.linear.scatter @p0 [tilespmem:s6], [sflag:$0x7], $0x4000, $0x38;
	[tilespmem:$0x15C00] =	vst v63  }
0x8e: {  	_ =	swait.ge @!p0 [sflag:s7], $0x4000  }
0x8f: {  	s11 =	simm.s32 @!p0 $0x80;
	s4 =	sshra.s32 @!p0 s21, $0x2;
	[sflag:s7] =	ssyncset.done @!p0 $0x0  }
0x90: {  	s6 =	sadd.s32 @!p0 $0x280, s4;
	[sflag:s7] =	ssyncadd.s32 @!p0 $0xFFFFC000;
	s7 =	simm.s32 @!p0 $0x1C00  }
0x91: {  	[tilespmem:s7], [sflag:$0x1] =	stream.indirect.gather @!p0 [hbm4b:s1+s11], $0x80, s6, s11, $0xb8;
	[tilespmem:$0x15C00] =	vst v63  }
0x92: {  	s6 =	simm.s32 @!p0 $0x2  }
0x93: {  	_ =	swait.ge @!p0 [sflag:s6], $0x4000  }
0x94: {  	s15 =	simm.s32 @!p0 $0x7;
	[sflag:s6] =	ssyncset.done @!p0 $0x0  }
0x95: {  	s7 =	simm.s32 @!p0 $0x0;
	[sflag:s6] =	ssyncadd.s32 @!p0 $0xFFFFC000;
	s6 =	simm.s32 @!p0 $0x5C00  }
0x96: {  	[hbm4b:s18+s7] =	stream.linear.scatter @!p0 [tilespmem:s6], [sflag:$0x7], $0x4000, $0x38;
	[tilespmem:$0x15C00] =	vst v63  }
0x97: {  	_ =	swait.ge @!p0 [sflag:s15], $0x4000  }
0x98: {  	[sflag:s15] =	ssyncset.done @!p0 $0x0  }
0x99: {  	[sflag:s15] =	ssyncadd.s32 @!p0 $0xFFFFC000;
	s15 =	sadd.s32 @!p0 $0x300, s4  }
0x9a: {  	[tilespmem:s6], [sflag:$0x2] =	stream.indirect.gather @!p0 [hbm4b:s1+s11], $0x80, s15, s11, $0xb8;
	[tilespmem:$0x15C00] =	vst v63  }
0x9b: {  	_ =	swait.ge [sflag:s25], $0x4000  }
0x9c: {  	[sflag:s25] =	ssyncset.done $0x0  }
0x9d: {  	s6 =	simm.s32 @p0 $0x4;
	[sflag:s25] =	ssyncadd.s32 $0xFFFFC000  }
0x9e: {  	[hbm4b:s14+s3] =	stream.linear.scatter [tilespmem:s20], [sflag:$0x8], $0x4000, $0x38;
	[tilespmem:$0x15C00] =	vst v63  }
0x9f: {  	_ =	swait.ge @p0 [sflag:s6], $0x4000  }
0xa0: {  	[sflag:s6] =	ssyncset.done @p0 $0x0  }
0xa1: {  	s14 =	rddreg [dreg:$0x5];
	[sflag:s6] =	ssyncadd.s32 @p0 $0xFFFFC000;
	s6 =	simm.s32 @p0 $0xDC00  }
0xa2: {  	[hbm4b:s14+s0] =	stream.linear.scatter @p0 [tilespmem:s6], [sflag:$0x9], $0x4000, $0x38;
	[tilespmem:$0x15C00] =	vst v63  }
0xa3: {  	s0 =	simm.s32 @!p0 $0x8  }
0xa4: {  	_ =	swait.ge @!p0 [sflag:s0], $0x4000  }
0xa5: {  	[sflag:s0] =	ssyncset.done @!p0 $0x0  }
0xa6: {  	s6 =	sadd.s32 @!p0 $0x380, s4;
	[sflag:s0] =	ssyncadd.s32 @!p0 $0xFFFFC000;
	s0 =	simm.s32 @!p0 $0x9C00  }
0xa7: {  	[tilespmem:s0], [sflag:$0x3] =	stream.indirect.gather @!p0 [hbm4b:s1+s11], $0x80, s6, s11, $0xb8;
	[tilespmem:$0x15C00] =	vst v63  }
0xa8: {  	s0 =	simm.s32 @!p0 $0x4  }
0xa9: {  	_ =	swait.ge @!p0 [sflag:s0], $0x4000  }
0xaa: {  	[sflag:s0] =	ssyncset.done @!p0 $0x0  }
0xab: {  	s6 =	simm.s32 @!p0 $0x9;
	[sflag:s0] =	ssyncadd.s32 @!p0 $0xFFFFC000;
	s0 =	simm.s32 @!p0 $0xDC00  }
0xac: {  	[hbm4b:s13+s7] =	stream.linear.scatter @!p0 [tilespmem:s0], [sflag:$0x9], $0x4000, $0x38;
	[tilespmem:$0x15C00] =	vst v63  }
0xad: {  	_ =	swait.ge @!p0 [sflag:s6], $0x4000  }
0xae: {  	[sflag:s6] =	ssyncset.done @!p0 $0x0  }
0xaf: {  	s4 =	sadd.s32 @!p0 $0x400, s4;
	[sflag:s6] =	ssyncadd.s32 @!p0 $0xFFFFC000  }
0xb0: {  	[tilespmem:s0], [sflag:$0x4] =	stream.indirect.gather @!p0 [hbm4b:s1+s11], $0x80, s4, s11, $0xb8;
	[tilespmem:$0x15C00] =	vst v63  }
0xb1: {  	_ =	swait.ge [sflag:s26], $0x4000  }
0xb2: {  	[sflag:s26] =	ssyncset.done $0x0  }
0xb3: {  	s21 =	simm.s32 $0x6;
	[sflag:s26] =	ssyncadd.s32 $0xFFFFC000  }
0xb4: {  	[hbm4b:s12+s3] =	stream.linear.scatter [tilespmem:s23], [sflag:$0xA], $0x4000, $0x38;
	[tilespmem:$0x15C00] =	vst v63  }
0xb5: {  	_ =	swait.ge [sflag:s21], $0x4000  }
0xb6: {  	[sflag:s21] =	ssyncset.done $0x0  }
0xb7: {  	s22 =	simm.s32 $0x7;
	[sflag:s21] =	ssyncadd.s32 $0xFFFFC000  }
0xb8: {  	_ =	swait.ge [sflag:s22], $0x4000  }
0xb9: {  	[sflag:s22] =	ssyncset.done $0x0  }
0xba: {  	s28 =	simm.s32 $0x8;
	[sflag:s22] =	ssyncadd.s32 $0xFFFFC000  }
0xbb: {  	_ =	swait.ge [sflag:s28], $0x4000  }
0xbc: {  	[sflag:s28] =	ssyncset.done $0x0  }
0xbd: {  	s29 =	simm.s32 $0x9;
	[sflag:s28] =	ssyncadd.s32 $0xFFFFC000  }
0xbe: {  	_ =	swait.ge [sflag:s29], $0x4000  }
0xbf: {  	[sflag:s29] =	ssyncset.done $0x0  }
0xc0: {  	s30 =	simm.s32 $0xA;
	[sflag:s29] =	ssyncadd.s32 $0xFFFFC000  }
0xc1: {  	_ =	swait.ge [sflag:s30], $0x4000  }
0xc2: {  	s2 =	sadd.s32 $0x1, s2;
	s31 =	rddreg [dreg:$0x8]  }
0xc3: {  	p0 =	sne.s32 s2, s31  }
.Ltmp1:
0xc4: {  	_ = 	snop;
	(pc) =	sbr.rel @p0 .LBB2_1-.Ltmp1, $3  }
0xc5: {  	_ =	sdelay $0x1  }
0xc6: {  	[sflag:s30] =	ssyncset.done $0x0  }
0xc7: {  	[sflag:s30] =	ssyncadd.s32 $0xFFFFC000  }
0xc8: {  	_ =	sfence.sel $0x180000  }
0xc9: {  	[bflag:$0x0] =	sbarrier.arrive $0xFFFF  }
0xca: {  	_ =	strace $0x90000047  }
0xcb: {  	s0 =	stileid.u32;
	[bflag:$0x2] =	sbarrier.arrive $0xFFFF  }
0xcc: {  	p0 =	sne.s32 s0, $0x0;
	s0 =	rddreg [dreg:$0x3]  }
0xcd: {  	s0 =	sadd.s32 @!p0 $0x100000, s0  }
0xce: {  	[sflag:s0] =	ssyncadd.tile.s32 @!p0 $0x1;
	_ =	shalt  }
.Lfunc_end2:
_tile_overlayer_lowered:
.L_overlay_start_2:
0xcf: {  	(tag) =	ssettag $0x2  }
0xd0: {  	s0 =	rddreg [dreg:$0x0];
	s2 =	stileid.u32  }
0xd1: {  	s1 =	rddreg [dreg:$0x1];
	p0 =	sne.s32 s2, $0x0  }
0xd2: {  	s3 =	rddreg [dreg:$0x2];
	[bflag:$0x3] =	sbarrier.arrive $0xFFFF;
	s2 =	simm.s32 @!p0 $0x1C0B  }
0xd3: {  	[timem:s3], [sflag:s2] =	dma.local @!p0 [hbm:s0], s1  }
0xd4: {  	s0 =	simm.s32 @!p0 $0xB  }
0xd5: {  	_ =	swait.ge @!p0 [sflag:s0], s1  }
0xd6: {  	s1 =	ssub.s32 @!p0 $0x0, s1;
	[sflag:s0] =	ssyncset.done @!p0 $0x0  }
0xd7: {  	[sflag:s0] =	ssyncadd.s32 @!p0 s1  }
0xd8: {  	[bflag:$0x3] =	sbarrier.arrive $0xFFFF  }
0xd9: {  	_ =	shalt  }

</sc_bundles>
